<compile_context>
chip_gen: v7x
topology: tpu7x:2x2x1
jax: 0.10.2.dev20260603
libtpu: 0.0.44.dev20260713+nightly
codegen_flags: <defaults>
</compile_context>

<pallas_src>
import functools

import jax
import jax.numpy as jnp
from jax import lax
from jax.experimental import pallas as pl
from jax.experimental.pallas import tpu as pltpu
from jax.experimental.pallas import tpu_sc as plsc

EMBED_DIM = 32
PHYS_W = 128
FOLD = PHYS_W // EMBED_DIM

NUM_CORES = 2
NUM_SUBCORES = 16
NW = NUM_CORES * NUM_SUBCORES

BB = 512


def _sc_embed(xt, table_phys, batch, n_fields):
    mesh = plsc.VectorSubcoreMesh(core_axis_name="c", subcore_axis_name="s")
    n_idx = n_fields * BB

    @functools.partial(
        pl.kernel,
        mesh=mesh,
        out_type=jax.ShapeDtypeStruct((n_fields, EMBED_DIM, batch), jnp.float32),
        compiler_params=pltpu.CompilerParams(
            needs_layout_passes=False, skip_device_barrier=True
        ),
        scratch_types=[
            pltpu.VMEM((n_fields, BB), jnp.int32),
            pltpu.VMEM((n_idx,), jnp.int32),
            pltpu.VMEM((BB // 2, PHYS_W), jnp.float32),
            pltpu.VMEM((BB // 2, PHYS_W), jnp.float32),
            pltpu.VMEM((1, EMBED_DIM, BB), jnp.float32),
            pltpu.SemaphoreType.DMA,
            pltpu.SemaphoreType.DMA,
            pltpu.SemaphoreType.DMA,
        ],
    )
    def body(xt_hbm, table_hbm, out_hbm, xblk, pidx, gathA, gathB, ostg,
             semA, semB, osem):
        w = lax.axis_index("s") * NUM_CORES + lax.axis_index("c")
        b0 = pl.multiple_of(w * BB, PHYS_W)

        pltpu.sync_copy(xt_hbm.at[:, pl.ds(b0, BB)], xblk)

        def shift_body(i, carry):
            r = i // (BB // 16)
            cg = i % (BB // 16)
            v = xblk[r, pl.ds(cg * 16, 16)]
            pidx[pl.ds(r * BB + cg * 16, 16)] = v >> 2
            return carry

        lax.fori_loop(0, n_idx // 16, shift_body, 0)

        iota = lax.iota(jnp.int32, 16)
        HALF = BB // 2

        def fire(half_start, buf, sem):
            return pltpu.async_copy(
                table_hbm.at[pidx.at[pl.ds(half_start, HALF)]], buf, sem
            )

        def wait(buf, sem):
            pltpu.make_async_copy(
                table_hbm.at[pidx.at[pl.ds(0, HALF)]], buf, sem
            ).wait()

        def rearrange(buf, f, h):
            def bg_body(bg, carry2):
                sv = xblk[f, pl.ds(h * HALF + bg * 16, 16)]
                scol = (sv & 3) * EMBED_DIM
                rows = bg * 16 + iota
                for kq in range(EMBED_DIM // 16):
                    vals = [
                        plsc.load_gather(buf, [rows, scol + (kq * 16 + j)])
                        for j in range(16)
                    ]
                    for j in range(16):
                        ostg[0, kq * 16 + j,
                             pl.ds(h * HALF + bg * 16, 16)] = vals[j]
                return carry2

            lax.fori_loop(0, HALF // 16, bg_body, 0)

        def out_slab(f):
            return out_hbm.at[pl.ds(f, 1), :, pl.ds(b0, BB)]

        fire(0, gathA, semA)
        pltpu.async_copy(ostg, out_slab(0), osem)

        def field_body(f, carry):
            fire(f * BB + HALF, gathB, semB)
            wait(gathA, semA)
            pltpu.make_async_copy(ostg, out_slab(f), osem).wait()
            rearrange(gathA, f, 0)
            nxt = (f + 1) * BB
            nxt = jnp.where(nxt >= n_idx, 0, nxt)
            fire(nxt, gathA, semA)
            wait(gathB, semB)
            rearrange(gathB, f, 1)
            pltpu.async_copy(ostg, out_slab(f), osem)
            return carry

        lax.fori_loop(0, n_fields, field_body, 0)
        wait(gathA, semA)
        pltpu.make_async_copy(ostg, out_slab(n_fields - 1), osem).wait()

    return body(xt, table_phys)


def kernel(x, table):
    batch, n_fields = x.shape
    xt = x.T.astype(jnp.int32)
    table_phys = table.reshape(table.shape[0] // FOLD, PHYS_W)
    out = _sc_embed(xt, table_phys, batch, n_fields)
    return out.transpose(2, 0, 1)

# --- scband reference (transcript-rebuilt; emitter-appended) ---
"""Pipeline reference for scband-class-embedding-26860725469628 (READ-ONLY COPY).

The authoritative reference and input builder live on the scoring server;
editing this copy changes nothing except your own understanding.
"""

import jax, jax.numpy as jnp
import numpy as np

VOC_SIZE = 1000000
EMBED_DIM = 32
BATCH = 16384
N_FIELDS = 26


def setup_inputs(seed: int = 0) -> dict:
    key = jax.random.key(seed)
    k_idx, k_tab = jax.random.split(key)
    x = jax.random.randint(k_idx, (BATCH, N_FIELDS), 0, VOC_SIZE, dtype=jnp.int64 if jax.config.jax_enable_x64 else jnp.int32)
    table = jax.random.normal(k_tab, (VOC_SIZE, EMBED_DIM), dtype=jnp.float32)
    return {"x": x, "table": table}


def reference(x, table):
    # Faithful translation of torch.nn.Embedding: y = table[x]
    y = jnp.take(table, x, axis=0)
    return y

if __name__ == "__main__":
    import jax
    _d = setup_inputs()
    print(jax.jit(kernel)(*tuple(_d.values())))

</pallas_src>

<mosaic_0001>
#map = affine_map<(d0, d1) -> (0, 0)>
#map1 = affine_map<(d0, d1) -> (0, 0, 0)>
module attributes {stable_mosaic.version = 14 : i64} {
  func.func @body(%arg0: i32, %arg1: i32, %arg2: memref<26x16384xi32, #tpu.memory_space<hbm>>, %arg3: memref<250000x128xf32, #tpu.memory_space<hbm>>, %arg4: memref<26x32x16384xf32, #tpu.memory_space<hbm>>, %arg5: memref<26x512xi32, #tpu.memory_space<vmem>>, %arg6: memref<13312xi32, #tpu.memory_space<vmem>>, %arg7: memref<256x128xf32, #tpu.memory_space<vmem>>, %arg8: memref<256x128xf32, #tpu.memory_space<vmem>>, %arg9: memref<1x32x512xf32, #tpu.memory_space<vmem>>, %arg10: memref<!tpu.dma_semaphore, #tpu.memory_space<semaphore_mem>>, %arg11: memref<!tpu.dma_semaphore, #tpu.memory_space<semaphore_mem>>, %arg12: memref<!tpu.dma_semaphore, #tpu.memory_space<semaphore_mem>>) attributes {dimension_semantics = [#tpu.dimension_semantics<core_parallel>, #tpu.dimension_semantics<subcore_parallel>], iteration_bounds = array<i64: 2, 16>, scalar_prefetch = 0 : i64, scratch_operands = 8 : i64, tpu.core_type = #tpu.core_type<sc_vector_subcore>, window_params = [{transform_indices = #map}, {transform_indices = #map}, {transform_indices = #map1}]} {
    %mul3A = arith.constant 2 : i32
    %mul3A_0 = arith.muli %arg1, %mul3A : i32
    %add3A = arith.addi %mul3A_0, %arg0 : i32
    %mul3A_1 = arith.constant 512 : i32
    %mul3A_2 = arith.muli %add3A, %mul3A_1 : i32
    %multiple_of3A = tpu.assume_multiple %mul3A_2, 128 : i32
    "tpu.region"() ({
      %run_scoped3A = tpu.sem_alloc : memref<!tpu.dma_semaphore, #tpu.memory_space<semaphore_mem>>
      %dma_start3A_34 = arith.constant 0 : i32
      %dma_start3A_35 = tpu.memref_slice %arg2[%dma_start3A_34, %multiple_of3A] : memref<26x16384xi32, #tpu.memory_space<hbm>> -> memref<26x512xi32, #tpu.memory_space<hbm>>
      %dma_start3A_36 = arith.constant 0 : i32
      %dma_start3A_37 = tpu.memref_slice %arg2[%dma_start3A_36, %multiple_of3A] : memref<26x16384xi32, #tpu.memory_space<hbm>> -> memref<26x512xi32, #tpu.memory_space<hbm>>
      tpu.enqueue_dma source(%dma_start3A_37 : memref<26x512xi32, #tpu.memory_space<hbm>>) target(%arg5 : memref<26x512xi32, #tpu.memory_space<vmem>>) target_semaphore(%run_scoped3A : memref<!tpu.dma_semaphore, #tpu.memory_space<semaphore_mem>>)
      %dma_wait3A_38 = arith.constant 0 : i32
      %dma_wait3A_39 = tpu.memref_slice %arg2[%dma_wait3A_38, %multiple_of3A] : memref<26x16384xi32, #tpu.memory_space<hbm>> -> memref<26x512xi32, #tpu.memory_space<hbm>>
      %dma_wait3A_40 = arith.constant 0 : i32
      %dma_wait3A_41 = tpu.memref_slice %arg2[%dma_wait3A_40, %multiple_of3A] : memref<26x16384xi32, #tpu.memory_space<hbm>> -> memref<26x512xi32, #tpu.memory_space<hbm>>
      tpu.wait_dma2 semaphore(%run_scoped3A : memref<!tpu.dma_semaphore, #tpu.memory_space<semaphore_mem>>) src(%dma_wait3A_41 : memref<26x512xi32, #tpu.memory_space<hbm>>) dst(%arg5 : memref<26x512xi32, #tpu.memory_space<vmem>>)
      tpu.yield
    }) : () -> ()
    %scan3A = arith.constant 0 : i32
    %scan3A_3 = arith.constant 0 : i32
    %scan3A_4 = arith.constant 832 : i32
    %scan3A_5 = arith.addi %scan3A_3, %scan3A_4 : i32
    %scan3A_6 = arith.constant 1 : i32
    scf.for %scan3A_34 = %scan3A_3 to %scan3A_5 step %scan3A_6  : i32 {
      %jit3A = arith.constant 32 : i32
      %div3A = arith.divsi %scan3A_34, %jit3A : i32
      %sign3A = arith.constant 0 : i32
      %sign3A_35 = arith.cmpi sgt, %scan3A_34, %sign3A : i32
      %sign3A_36 = arith.extui %sign3A_35 : i1 to i32
      %sign3A_37 = arith.constant 0 : i32
      %sign3A_38 = arith.cmpi slt, %scan3A_34, %sign3A_37 : i32
      %sign3A_39 = arith.extui %sign3A_38 : i1 to i32
      %sign3A_40 = arith.subi %sign3A_36, %sign3A_39 : i32
      %sign3A_41 = arith.constant 0 : i32
      %sign3A_42 = arith.cmpi sgt, %jit3A, %sign3A_41 : i32
      %sign3A_43 = arith.extui %sign3A_42 : i1 to i32
      %sign3A_44 = arith.constant 0 : i32
      %sign3A_45 = arith.cmpi slt, %jit3A, %sign3A_44 : i32
      %sign3A_46 = arith.extui %sign3A_45 : i1 to i32
      %sign3A_47 = arith.subi %sign3A_43, %sign3A_46 : i32
      %ne3A = arith.cmpi ne, %sign3A_40, %sign3A_47 : i32
      %rem3A = arith.remsi %scan3A_34, %jit3A : i32
      %ne3A_48 = arith.constant 0 : i32
      %ne3A_49 = arith.cmpi ne, %rem3A, %ne3A_48 : i32
      %and3A = arith.andi %ne3A, %ne3A_49 : i1
      %sub3A = arith.constant 1 : i32
      %sub3A_50 = arith.subi %div3A, %sub3A : i32
      %select_n3A = arith.select %and3A, %sub3A_50, %div3A : i32
      %jit3A_51 = arith.constant 32 : i32
      %eq3A = arith.constant 0 : i32
      %eq3A_52 = arith.cmpi eq, %jit3A_51, %eq3A : i32
      %jit3A_53 = arith.constant 1 : i32
      %select_n3A_54 = arith.select %eq3A_52, %jit3A_53, %jit3A_51 : i32
      %rem3A_55 = arith.remsi %scan3A_34, %select_n3A_54 : i32
      %ne3A_56 = arith.constant 0 : i32
      %ne3A_57 = arith.cmpi ne, %rem3A_55, %ne3A_56 : i32
      %lt3A = arith.constant 0 : i32
      %lt3A_58 = arith.cmpi slt, %rem3A_55, %lt3A : i32
      %lt3A_59 = arith.constant 0 : i32
      %lt3A_60 = arith.cmpi slt, %select_n3A_54, %lt3A_59 : i32
      %ne3A_61 = arith.xori %lt3A_58, %lt3A_60 : i1
      %and3A_62 = arith.andi %ne3A_61, %ne3A_57 : i1
      %add3A_63 = arith.addi %rem3A_55, %select_n3A_54 : i32
      %select_n3A_64 = arith.select %and3A_62, %add3A_63, %rem3A_55 : i32
      %mul3A_65 = arith.constant 16 : i32
      %mul3A_66 = arith.muli %select_n3A_64, %mul3A_65 : i32
      %get3A = arith.index_cast %select_n3A : i32 to index
      %get3A_67 = arith.index_cast %mul3A_66 : i32 to index
      %get3A_68 = tpu.vector_load %arg5[%get3A, %get3A_67] {strides = array<i32>} : memref<26x512xi32, #tpu.memory_space<vmem>>, vector<16xi32>,
      %shift_right_arithmetic3A = arith.constant 2 : i32
      %shift_right_arithmetic3A_69 = vector.broadcast %shift_right_arithmetic3A : i32 to vector<16xi32>
      %shift_right_arithmetic3A_70 = arith.shrsi %get3A_68, %shift_right_arithmetic3A_69 : vector<16xi32>
      %mul3A_71 = arith.constant 512 : i32
      %mul3A_72 = arith.muli %select_n3A, %mul3A_71 : i32
      %mul3A_73 = arith.constant 16 : i32
      %mul3A_74 = arith.muli %select_n3A_64, %mul3A_73 : i32
      %add3A_75 = arith.addi %mul3A_72, %mul3A_74 : i32
      %swap3A = arith.index_cast %add3A_75 : i32 to index
      %swap3A_76 = tpu.vector_load %arg6[%swap3A] {strides = array<i32>} : memref<13312xi32, #tpu.memory_space<vmem>>, vector<16xi32>,
      tpu.vector_store %arg6[%swap3A], %shift_right_arithmetic3A_70 {strides = array<i32>} : memref<13312xi32, #tpu.memory_space<vmem>>, vector<16xi32>,
    }
    %scan3A_7 = arith.constant 832 : i32
    %iota3A = tpu.iota {dimensions = array<i32: 0>} : vector<16xi32>
    %dma_start3A = arith.constant 0 : i32
    %dma_start3A_8 = tpu.memref_slice %arg6[%dma_start3A] : memref<13312xi32, #tpu.memory_space<vmem>> -> memref<256xi32, #tpu.memory_space<vmem>>
    %dma_start3A_9 = arith.constant 0 : i32
    %dma_start3A_10 = arith.constant 0 : i32
    %dma_start3A_11 = tpu.memref_slice %arg3[%dma_start3A_9, %dma_start3A_10] : memref<250000x128xf32, #tpu.memory_space<hbm>> -> memref<250000x128xf32, #tpu.memory_space<hbm>>
    tpu.enqueue_indirect_dma source(%dma_start3A_11 : memref<250000x128xf32, #tpu.memory_space<hbm>>) target(%arg7 : memref<256x128xf32, #tpu.memory_space<vmem>>) offsets(%dma_start3A_8 : memref<256xi32, #tpu.memory_space<vmem>>) semaphore(%arg10 : memref<!tpu.dma_semaphore, #tpu.memory_space<semaphore_mem>>)
    %dma_start3A_12 = arith.constant 0 : i32
    %dma_start3A_13 = arith.constant 0 : i32
    %dma_start3A_14 = tpu.memref_slice %arg4[%dma_start3A_12, %dma_start3A_13, %multiple_of3A] : memref<26x32x16384xf32, #tpu.memory_space<hbm>> -> memref<1x32x512xf32, #tpu.memory_space<hbm>>
    %dma_start3A_15 = arith.constant 0 : i32
    %dma_start3A_16 = arith.constant 0 : i32
    %dma_start3A_17 = tpu.memref_slice %arg4[%dma_start3A_15, %dma_start3A_16, %multiple_of3A] : memref<26x32x16384xf32, #tpu.memory_space<hbm>> -> memref<1x32x512xf32, #tpu.memory_space<hbm>>
    tpu.enqueue_dma source(%arg9 : memref<1x32x512xf32, #tpu.memory_space<vmem>>) target(%dma_start3A_17 : memref<1x32x512xf32, #tpu.memory_space<hbm>>) target_semaphore(%arg12 : memref<!tpu.dma_semaphore, #tpu.memory_space<semaphore_mem>>)
    %scan3A_18 = arith.constant 0 : i32
    %scan3A_19 = arith.constant 0 : i32
    %scan3A_20 = arith.constant 26 : i32
    %scan3A_21 = arith.addi %scan3A_19, %scan3A_20 : i32
    %scan3A_22 = arith.constant 1 : i32
    scf.for %scan3A_34 = %scan3A_19 to %scan3A_21 step %scan3A_22  : i32 {
      %mul3A_35 = arith.constant 512 : i32
      %mul3A_36 = arith.muli %scan3A_34, %mul3A_35 : i32
      %add3A_37 = arith.constant 256 : i32
      %add3A_38 = arith.addi %mul3A_36, %add3A_37 : i32
      %dma_start3A_39 = tpu.memref_slice %arg6[%add3A_38] : memref<13312xi32, #tpu.memory_space<vmem>> -> memref<256xi32, #tpu.memory_space<vmem>>
      %dma_start3A_40 = arith.constant 0 : i32
      %dma_start3A_41 = arith.constant 0 : i32
      %dma_start3A_42 = tpu.memref_slice %arg3[%dma_start3A_40, %dma_start3A_41] : memref<250000x128xf32, #tpu.memory_space<hbm>> -> memref<250000x128xf32, #tpu.memory_space<hbm>>
      tpu.enqueue_indirect_dma source(%dma_start3A_42 : memref<250000x128xf32, #tpu.memory_space<hbm>>) target(%arg8 : memref<256x128xf32, #tpu.memory_space<vmem>>) offsets(%dma_start3A_39 : memref<256xi32, #tpu.memory_space<vmem>>) semaphore(%arg11 : memref<!tpu.dma_semaphore, #tpu.memory_space<semaphore_mem>>)
      %dma_wait3A_43 = arith.constant 0 : i32
      %dma_wait3A_44 = tpu.memref_slice %arg6[%dma_wait3A_43] : memref<13312xi32, #tpu.memory_space<vmem>> -> memref<256xi32, #tpu.memory_space<vmem>>
      %dma_wait3A_45 = arith.constant 0 : i32
      %dma_wait3A_46 = arith.constant 0 : i32
      %dma_wait3A_47 = tpu.memref_slice %arg3[%dma_wait3A_45, %dma_wait3A_46] : memref<250000x128xf32, #tpu.memory_space<hbm>> -> memref<250000x128xf32, #tpu.memory_space<hbm>>
      tpu.wait_indirect_dma semaphore(%arg10 : memref<!tpu.dma_semaphore, #tpu.memory_space<semaphore_mem>>) src(%dma_wait3A_47 : memref<250000x128xf32, #tpu.memory_space<hbm>>) dst(%arg7 : memref<256x128xf32, #tpu.memory_space<vmem>>)
      %dma_wait3A_48 = arith.constant 0 : i32
      %dma_wait3A_49 = tpu.memref_slice %arg4[%scan3A_34, %dma_wait3A_48, %multiple_of3A] : memref<26x32x16384xf32, #tpu.memory_space<hbm>> -> memref<1x32x512xf32, #tpu.memory_space<hbm>>
      %dma_wait3A_50 = arith.constant 0 : i32
      %dma_wait3A_51 = tpu.memref_slice %arg4[%scan3A_34, %dma_wait3A_50, %multiple_of3A] : memref<26x32x16384xf32, #tpu.memory_space<hbm>> -> memref<1x32x512xf32, #tpu.memory_space<hbm>>
      tpu.wait_dma2 semaphore(%arg12 : memref<!tpu.dma_semaphore, #tpu.memory_space<semaphore_mem>>) src(%arg9 : memref<1x32x512xf32, #tpu.memory_space<vmem>>) dst(%dma_wait3A_51 : memref<1x32x512xf32, #tpu.memory_space<hbm>>)
      %scan3A_52 = arith.constant 0 : i32
      %scan3A_53 = arith.constant 0 : i32
      %scan3A_54 = arith.constant 16 : i32
      %scan3A_55 = arith.addi %scan3A_53, %scan3A_54 : i32
      %scan3A_56 = arith.constant 1 : i32
      scf.for %scan3A_82 = %scan3A_53 to %scan3A_55 step %scan3A_56  : i32 {
        %mul3A_83 = arith.constant 16 : i32
        %mul3A_84 = arith.muli %scan3A_82, %mul3A_83 : i32
        %add3A_85 = arith.constant 0 : i32
        %add3A_86 = arith.addi %add3A_85, %mul3A_84 : i32
        %get3A = arith.index_cast %scan3A_34 : i32 to index
        %get3A_87 = arith.index_cast %add3A_86 : i32 to index
        %get3A_88 = tpu.vector_load %arg5[%get3A, %get3A_87] {strides = array<i32>} : memref<26x512xi32, #tpu.memory_space<vmem>>, vector<16xi32>,
        %and3A = arith.constant 3 : i32
        %and3A_89 = vector.broadcast %and3A : i32 to vector<16xi32>
        %and3A_90 = arith.andi %get3A_88, %and3A_89 : vector<16xi32>
        %mul3A_91 = arith.constant 32 : i32
        %mul3A_92 = vector.broadcast %mul3A_91 : i32 to vector<16xi32>
        %mul3A_93 = arith.muli %and3A_90, %mul3A_92 : vector<16xi32>
        %mul3A_94 = arith.constant 16 : i32
        %mul3A_95 = arith.muli %scan3A_82, %mul3A_94 : i32
        %add3A_96 = vector.broadcast %mul3A_95 : i32 to vector<16xi32>
        %add3A_97 = arith.addi %add3A_96, %iota3A : vector<16xi32>
        %add3A_98 = arith.constant 0 : i32
        %add3A_99 = vector.broadcast %add3A_98 : i32 to vector<16xi32>
        %add3A_100 = arith.addi %mul3A_93, %add3A_99 : vector<16xi32>
        %gather3A = tpu.vector_load_idx %arg7[%add3A_97, %add3A_100] : memref<256x128xf32, #tpu.memory_space<vmem>>[vector<16xi32>, vector<16xi32>], vector<16xf32>,
        %add3A_101 = arith.constant 1 : i32
        %add3A_102 = vector.broadcast %add3A_101 : i32 to vector<16xi32>
        %add3A_103 = arith.addi %mul3A_93, %add3A_102 : vector<16xi32>
        %gather3A_104 = tpu.vector_load_idx %arg7[%add3A_97, %add3A_103] : memref<256x128xf32, #tpu.memory_space<vmem>>[vector<16xi32>, vector<16xi32>], vector<16xf32>,
        %add3A_105 = arith.constant 2 : i32
        %add3A_106 = vector.broadcast %add3A_105 : i32 to vector<16xi32>
        %add3A_107 = arith.addi %mul3A_93, %add3A_106 : vector<16xi32>
        %gather3A_108 = tpu.vector_load_idx %arg7[%add3A_97, %add3A_107] : memref<256x128xf32, #tpu.memory_space<vmem>>[vector<16xi32>, vector<16xi32>], vector<16xf32>,
        %add3A_109 = arith.constant 3 : i32
        %add3A_110 = vector.broadcast %add3A_109 : i32 to vector<16xi32>
        %add3A_111 = arith.addi %mul3A_93, %add3A_110 : vector<16xi32>
        %gather3A_112 = tpu.vector_load_idx %arg7[%add3A_97, %add3A_111] : memref<256x128xf32, #tpu.memory_space<vmem>>[vector<16xi32>, vector<16xi32>], vector<16xf32>,
        %add3A_113 = arith.constant 4 : i32
        %add3A_114 = vector.broadcast %add3A_113 : i32 to vector<16xi32>
        %add3A_115 = arith.addi %mul3A_93, %add3A_114 : vector<16xi32>
        %gather3A_116 = tpu.vector_load_idx %arg7[%add3A_97, %add3A_115] : memref<256x128xf32, #tpu.memory_space<vmem>>[vector<16xi32>, vector<16xi32>], vector<16xf32>,
        %add3A_117 = arith.constant 5 : i32
        %add3A_118 = vector.broadcast %add3A_117 : i32 to vector<16xi32>
        %add3A_119 = arith.addi %mul3A_93, %add3A_118 : vector<16xi32>
        %gather3A_120 = tpu.vector_load_idx %arg7[%add3A_97, %add3A_119] : memref<256x128xf32, #tpu.memory_space<vmem>>[vector<16xi32>, vector<16xi32>], vector<16xf32>,
        %add3A_121 = arith.constant 6 : i32
        %add3A_122 = vector.broadcast %add3A_121 : i32 to vector<16xi32>
        %add3A_123 = arith.addi %mul3A_93, %add3A_122 : vector<16xi32>
        %gather3A_124 = tpu.vector_load_idx %arg7[%add3A_97, %add3A_123] : memref<256x128xf32, #tpu.memory_space<vmem>>[vector<16xi32>, vector<16xi32>], vector<16xf32>,
        %add3A_125 = arith.constant 7 : i32
        %add3A_126 = vector.broadcast %add3A_125 : i32 to vector<16xi32>
        %add3A_127 = arith.addi %mul3A_93, %add3A_126 : vector<16xi32>
        %gather3A_128 = tpu.vector_load_idx %arg7[%add3A_97, %add3A_127] : memref<256x128xf32, #tpu.memory_space<vmem>>[vector<16xi32>, vector<16xi32>], vector<16xf32>,
        %add3A_129 = arith.constant 8 : i32
        %add3A_130 = vector.broadcast %add3A_129 : i32 to vector<16xi32>
        %add3A_131 = arith.addi %mul3A_93, %add3A_130 : vector<16xi32>
        %gather3A_132 = tpu.vector_load_idx %arg7[%add3A_97, %add3A_131] : memref<256x128xf32, #tpu.memory_space<vmem>>[vector<16xi32>, vector<16xi32>], vector<16xf32>,
        %add3A_133 = arith.constant 9 : i32
        %add3A_134 = vector.broadcast %add3A_133 : i32 to vector<16xi32>
        %add3A_135 = arith.addi %mul3A_93, %add3A_134 : vector<16xi32>
        %gather3A_136 = tpu.vector_load_idx %arg7[%add3A_97, %add3A_135] : memref<256x128xf32, #tpu.memory_space<vmem>>[vector<16xi32>, vector<16xi32>], vector<16xf32>,
        %add3A_137 = arith.constant 10 : i32
        %add3A_138 = vector.broadcast %add3A_137 : i32 to vector<16xi32>
        %add3A_139 = arith.addi %mul3A_93, %add3A_138 : vector<16xi32>
        %gather3A_140 = tpu.vector_load_idx %arg7[%add3A_97, %add3A_139] : memref<256x128xf32, #tpu.memory_space<vmem>>[vector<16xi32>, vector<16xi32>], vector<16xf32>,
        %add3A_141 = arith.constant 11 : i32
        %add3A_142 = vector.broadcast %add3A_141 : i32 to vector<16xi32>
        %add3A_143 = arith.addi %mul3A_93, %add3A_142 : vector<16xi32>
        %gather3A_144 = tpu.vector_load_idx %arg7[%add3A_97, %add3A_143] : memref<256x128xf32, #tpu.memory_space<vmem>>[vector<16xi32>, vector<16xi32>], vector<16xf32>,
        %add3A_145 = arith.constant 12 : i32
        %add3A_146 = vector.broadcast %add3A_145 : i32 to vector<16xi32>
        %add3A_147 = arith.addi %mul3A_93, %add3A_146 : vector<16xi32>
        %gather3A_148 = tpu.vector_load_idx %arg7[%add3A_97, %add3A_147] : memref<256x128xf32, #tpu.memory_space<vmem>>[vector<16xi32>, vector<16xi32>], vector<16xf32>,
        %add3A_149 = arith.constant 13 : i32
        %add3A_150 = vector.broadcast %add3A_149 : i32 to vector<16xi32>
        %add3A_151 = arith.addi %mul3A_93, %add3A_150 : vector<16xi32>
        %gather3A_152 = tpu.vector_load_idx %arg7[%add3A_97, %add3A_151] : memref<256x128xf32, #tpu.memory_space<vmem>>[vector<16xi32>, vector<16xi32>], vector<16xf32>,
        %add3A_153 = arith.constant 14 : i32
        %add3A_154 = vector.broadcast %add3A_153 : i32 to vector<16xi32>
        %add3A_155 = arith.addi %mul3A_93, %add3A_154 : vector<16xi32>
        %gather3A_156 = tpu.vector_load_idx %arg7[%add3A_97, %add3A_155] : memref<256x128xf32, #tpu.memory_space<vmem>>[vector<16xi32>, vector<16xi32>], vector<16xf32>,
        %add3A_157 = arith.constant 15 : i32
        %add3A_158 = vector.broadcast %add3A_157 : i32 to vector<16xi32>
        %add3A_159 = arith.addi %mul3A_93, %add3A_158 : vector<16xi32>
        %gather3A_160 = tpu.vector_load_idx %arg7[%add3A_97, %add3A_159] : memref<256x128xf32, #tpu.memory_space<vmem>>[vector<16xi32>, vector<16xi32>], vector<16xf32>,
        %mul3A_161 = arith.constant 16 : i32
        %mul3A_162 = arith.muli %scan3A_82, %mul3A_161 : i32
        %add3A_163 = arith.constant 0 : i32
        %add3A_164 = arith.addi %add3A_163, %mul3A_162 : i32
        %swap3A = arith.constant 0 : i32
        %swap3A_165 = arith.constant 0 : i32
        %swap3A_166 = arith.index_cast %swap3A : i32 to index
        %swap3A_167 = arith.index_cast %swap3A_165 : i32 to index
        %swap3A_168 = arith.index_cast %add3A_164 : i32 to index
        %swap3A_169 = tpu.vector_load %arg9[%swap3A_166, %swap3A_167, %swap3A_168] {strides = array<i32>} : memref<1x32x512xf32, #tpu.memory_space<vmem>>, vector<16xf32>,
        tpu.vector_store %arg9[%swap3A_166, %swap3A_167, %swap3A_168], %gather3A {strides = array<i32>} : memref<1x32x512xf32, #tpu.memory_space<vmem>>, vector<16xf32>,
        %mul3A_170 = arith.constant 16 : i32
        %mul3A_171 = arith.muli %scan3A_82, %mul3A_170 : i32
        %add3A_172 = arith.constant 0 : i32
        %add3A_173 = arith.addi %add3A_172, %mul3A_171 : i32
        %swap3A_174 = arith.constant 0 : i32
        %swap3A_175 = arith.constant 1 : i32
        %swap3A_176 = arith.index_cast %swap3A_174 : i32 to index
        %swap3A_177 = arith.index_cast %swap3A_175 : i32 to index
        %swap3A_178 = arith.index_cast %add3A_173 : i32 to index
        %swap3A_179 = tpu.vector_load %arg9[%swap3A_176, %swap3A_177, %swap3A_178] {strides = array<i32>} : memref<1x32x512xf32, #tpu.memory_space<vmem>>, vector<16xf32>,
        tpu.vector_store %arg9[%swap3A_176, %swap3A_177, %swap3A_178], %gather3A_104 {strides = array<i32>} : memref<1x32x512xf32, #tpu.memory_space<vmem>>, vector<16xf32>,
        %mul3A_180 = arith.constant 16 : i32
        %mul3A_181 = arith.muli %scan3A_82, %mul3A_180 : i32
        %add3A_182 = arith.constant 0 : i32
        %add3A_183 = arith.addi %add3A_182, %mul3A_181 : i32
        %swap3A_184 = arith.constant 0 : i32
        %swap3A_185 = arith.constant 2 : i32
        %swap3A_186 = arith.index_cast %swap3A_184 : i32 to index
        %swap3A_187 = arith.index_cast %swap3A_185 : i32 to index
        %swap3A_188 = arith.index_cast %add3A_183 : i32 to index
        %swap3A_189 = tpu.vector_load %arg9[%swap3A_186, %swap3A_187, %swap3A_188] {strides = array<i32>} : memref<1x32x512xf32, #tpu.memory_space<vmem>>, vector<16xf32>,
        tpu.vector_store %arg9[%swap3A_186, %swap3A_187, %swap3A_188], %gather3A_108 {strides = array<i32>} : memref<1x32x512xf32, #tpu.memory_space<vmem>>, vector<16xf32>,
        %mul3A_190 = arith.constant 16 : i32
        %mul3A_191 = arith.muli %scan3A_82, %mul3A_190 : i32
        %add3A_192 = arith.constant 0 : i32
        %add3A_193 = arith.addi %add3A_192, %mul3A_191 : i32
        %swap3A_194 = arith.constant 0 : i32
        %swap3A_195 = arith.constant 3 : i32
        %swap3A_196 = arith.index_cast %swap3A_194 : i32 to index
        %swap3A_197 = arith.index_cast %swap3A_195 : i32 to index
        %swap3A_198 = arith.index_cast %add3A_193 : i32 to index
        %swap3A_199 = tpu.vector_load %arg9[%swap3A_196, %swap3A_197, %swap3A_198] {strides = array<i32>} : memref<1x32x512xf32, #tpu.memory_space<vmem>>, vector<16xf32>,
        tpu.vector_store %arg9[%swap3A_196, %swap3A_197, %swap3A_198], %gather3A_112 {strides = array<i32>} : memref<1x32x512xf32, #tpu.memory_space<vmem>>, vector<16xf32>,
        %mul3A_200 = arith.constant 16 : i32
        %mul3A_201 = arith.muli %scan3A_82, %mul3A_200 : i32
        %add3A_202 = arith.constant 0 : i32
        %add3A_203 = arith.addi %add3A_202, %mul3A_201 : i32
        %swap3A_204 = arith.constant 0 : i32
        %swap3A_205 = arith.constant 4 : i32
        %swap3A_206 = arith.index_cast %swap3A_204 : i32 to index
        %swap3A_207 = arith.index_cast %swap3A_205 : i32 to index
        %swap3A_208 = arith.index_cast %add3A_203 : i32 to index
        %swap3A_209 = tpu.vector_load %arg9[%swap3A_206, %swap3A_207, %swap3A_208] {strides = array<i32>} : memref<1x32x512xf32, #tpu.memory_space<vmem>>, vector<16xf32>,
        tpu.vector_store %arg9[%swap3A_206, %swap3A_207, %swap3A_208], %gather3A_116 {strides = array<i32>} : memref<1x32x512xf32, #tpu.memory_space<vmem>>, vector<16xf32>,
        %mul3A_210 = arith.constant 16 : i32
        %mul3A_211 = arith.muli %scan3A_82, %mul3A_210 : i32
        %add3A_212 = arith.constant 0 : i32
        %add3A_213 = arith.addi %add3A_212, %mul3A_211 : i32
        %swap3A_214 = arith.constant 0 : i32
        %swap3A_215 = arith.constant 5 : i32
        %swap3A_216 = arith.index_cast %swap3A_214 : i32 to index
        %swap3A_217 = arith.index_cast %swap3A_215 : i32 to index
        %swap3A_218 = arith.index_cast %add3A_213 : i32 to index
        %swap3A_219 = tpu.vector_load %arg9[%swap3A_216, %swap3A_217, %swap3A_218] {strides = array<i32>} : memref<1x32x512xf32, #tpu.memory_space<vmem>>, vector<16xf32>,
        tpu.vector_store %arg9[%swap3A_216, %swap3A_217, %swap3A_218], %gather3A_120 {strides = array<i32>} : memref<1x32x512xf32, #tpu.memory_space<vmem>>, vector<16xf32>,
        %mul3A_220 = arith.constant 16 : i32
        %mul3A_221 = arith.muli %scan3A_82, %mul3A_220 : i32
        %add3A_222 = arith.constant 0 : i32
        %add3A_223 = arith.addi %add3A_222, %mul3A_221 : i32
        %swap3A_224 = arith.constant 0 : i32
        %swap3A_225 = arith.constant 6 : i32
        %swap3A_226 = arith.index_cast %swap3A_224 : i32 to index
        %swap3A_227 = arith.index_cast %swap3A_225 : i32 to index
        %swap3A_228 = arith.index_cast %add3A_223 : i32 to index
        %swap3A_229 = tpu.vector_load %arg9[%swap3A_226, %swap3A_227, %swap3A_228] {strides = array<i32>} : memref<1x32x512xf32, #tpu.memory_space<vmem>>, vector<16xf32>,
        tpu.vector_store %arg9[%swap3A_226, %swap3A_227, %swap3A_228], %gather3A_124 {strides = array<i32>} : memref<1x32x512xf32, #tpu.memory_space<vmem>>, vector<16xf32>,
        %mul3A_230 = arith.constant 16 : i32
        %mul3A_231 = arith.muli %scan3A_82, %mul3A_230 : i32
        %add3A_232 = arith.constant 0 : i32
        %add3A_233 = arith.addi %add3A_232, %mul3A_231 : i32
        %swap3A_234 = arith.constant 0 : i32
        %swap3A_235 = arith.constant 7 : i32
        %swap3A_236 = arith.index_cast %swap3A_234 : i32 to index
        %swap3A_237 = arith.index_cast %swap3A_235 : i32 to index
        %swap3A_238 = arith.index_cast %add3A_233 : i32 to index
        %swap3A_239 = tpu.vector_load %arg9[%swap3A_236, %swap3A_237, %swap3A_238] {strides = array<i32>} : memref<1x32x512xf32, #tpu.memory_space<vmem>>, vector<16xf32>,
        tpu.vector_store %arg9[%swap3A_236, %swap3A_237, %swap3A_238], %gather3A_128 {strides = array<i32>} : memref<1x32x512xf32, #tpu.memory_space<vmem>>, vector<16xf32>,
        %mul3A_240 = arith.constant 16 : i32
        %mul3A_241 = arith.muli %scan3A_82, %mul3A_240 : i32
        %add3A_242 = arith.constant 0 : i32
        %add3A_243 = arith.addi %add3A_242, %mul3A_241 : i32
        %swap3A_244 = arith.constant 0 : i32
        %swap3A_245 = arith.constant 8 : i32
        %swap3A_246 = arith.index_cast %swap3A_244 : i32 to index
        %swap3A_247 = arith.index_cast %swap3A_245 : i32 to index
        %swap3A_248 = arith.index_cast %add3A_243 : i32 to index
        %swap3A_249 = tpu.vector_load %arg9[%swap3A_246, %swap3A_247, %swap3A_248] {strides = array<i32>} : memref<1x32x512xf32, #tpu.memory_space<vmem>>, vector<16xf32>,
        tpu.vector_store %arg9[%swap3A_246, %swap3A_247, %swap3A_248], %gather3A_132 {strides = array<i32>} : memref<1x32x512xf32, #tpu.memory_space<vmem>>, vector<16xf32>,
        %mul3A_250 = arith.constant 16 : i32
        %mul3A_251 = arith.muli %scan3A_82, %mul3A_250 : i32
        %add3A_252 = arith.constant 0 : i32
        %add3A_253 = arith.addi %add3A_252, %mul3A_251 : i32
        %swap3A_254 = arith.constant 0 : i32
        %swap3A_255 = arith.constant 9 : i32
        %swap3A_256 = arith.index_cast %swap3A_254 : i32 to index
        %swap3A_257 = arith.index_cast %swap3A_255 : i32 to index
        %swap3A_258 = arith.index_cast %add3A_253 : i32 to index
        %swap3A_259 = tpu.vector_load %arg9[%swap3A_256, %swap3A_257, %swap3A_258] {strides = array<i32>} : memref<1x32x512xf32, #tpu.memory_space<vmem>>, vector<16xf32>,
        tpu.vector_store %arg9[%swap3A_256, %swap3A_257, %swap3A_258], %gather3A_136 {strides = array<i32>} : memref<1x32x512xf32, #tpu.memory_space<vmem>>, vector<16xf32>,
        %mul3A_260 = arith.constant 16 : i32
        %mul3A_261 = arith.muli %scan3A_82, %mul3A_260 : i32
        %add3A_262 = arith.constant 0 : i32
        %add3A_263 = arith.addi %add3A_262, %mul3A_261 : i32
        %swap3A_264 = arith.constant 0 : i32
        %swap3A_265 = arith.constant 10 : i32
        %swap3A_266 = arith.index_cast %swap3A_264 : i32 to index
        %swap3A_267 = arith.index_cast %swap3A_265 : i32 to index
        %swap3A_268 = arith.index_cast %add3A_263 : i32 to index
        %swap3A_269 = tpu.vector_load %arg9[%swap3A_266, %swap3A_267, %swap3A_268] {strides = array<i32>} : memref<1x32x512xf32, #tpu.memory_space<vmem>>, vector<16xf32>,
        tpu.vector_store %arg9[%swap3A_266, %swap3A_267, %swap3A_268], %gather3A_140 {strides = array<i32>} : memref<1x32x512xf32, #tpu.memory_space<vmem>>, vector<16xf32>,
        %mul3A_270 = arith.constant 16 : i32
        %mul3A_271 = arith.muli %scan3A_82, %mul3A_270 : i32
        %add3A_272 = arith.constant 0 : i32
        %add3A_273 = arith.addi %add3A_272, %mul3A_271 : i32
        %swap3A_274 = arith.constant 0 : i32
        %swap3A_275 = arith.constant 11 : i32
        %swap3A_276 = arith.index_cast %swap3A_274 : i32 to index
        %swap3A_277 = arith.index_cast %swap3A_275 : i32 to index
        %swap3A_278 = arith.index_cast %add3A_273 : i32 to index
        %swap3A_279 = tpu.vector_load %arg9[%swap3A_276, %swap3A_277, %swap3A_278] {strides = array<i32>} : memref<1x32x512xf32, #tpu.memory_space<vmem>>, vector<16xf32>,
        tpu.vector_store %arg9[%swap3A_276, %swap3A_277, %swap3A_278], %gather3A_144 {strides = array<i32>} : memref<1x32x512xf32, #tpu.memory_space<vmem>>, vector<16xf32>,
        %mul3A_280 = arith.constant 16 : i32
        %mul3A_281 = arith.muli %scan3A_82, %mul3A_280 : i32
        %add3A_282 = arith.constant 0 : i32
        %add3A_283 = arith.addi %add3A_282, %mul3A_281 : i32
        %swap3A_284 = arith.constant 0 : i32
        %swap3A_285 = arith.constant 12 : i32
        %swap3A_286 = arith.index_cast %swap3A_284 : i32 to index
        %swap3A_287 = arith.index_cast %swap3A_285 : i32 to index
        %swap3A_288 = arith.index_cast %add3A_283 : i32 to index
        %swap3A_289 = tpu.vector_load %arg9[%swap3A_286, %swap3A_287, %swap3A_288] {strides = array<i32>} : memref<1x32x512xf32, #tpu.memory_space<vmem>>, vector<16xf32>,
        tpu.vector_store %arg9[%swap3A_286, %swap3A_287, %swap3A_288], %gather3A_148 {strides = array<i32>} : memref<1x32x512xf32, #tpu.memory_space<vmem>>, vector<16xf32>,
        %mul3A_290 = arith.constant 16 : i32
        %mul3A_291 = arith.muli %scan3A_82, %mul3A_290 : i32
        %add3A_292 = arith.constant 0 : i32
        %add3A_293 = arith.addi %add3A_292, %mul3A_291 : i32
        %swap3A_294 = arith.constant 0 : i32
        %swap3A_295 = arith.constant 13 : i32
        %swap3A_296 = arith.index_cast %swap3A_294 : i32 to index
        %swap3A_297 = arith.index_cast %swap3A_295 : i32 to index
        %swap3A_298 = arith.index_cast %add3A_293 : i32 to index
        %swap3A_299 = tpu.vector_load %arg9[%swap3A_296, %swap3A_297, %swap3A_298] {strides = array<i32>} : memref<1x32x512xf32, #tpu.memory_space<vmem>>, vector<16xf32>,
        tpu.vector_store %arg9[%swap3A_296, %swap3A_297, %swap3A_298], %gather3A_152 {strides = array<i32>} : memref<1x32x512xf32, #tpu.memory_space<vmem>>, vector<16xf32>,
        %mul3A_300 = arith.constant 16 : i32
        %mul3A_301 = arith.muli %scan3A_82, %mul3A_300 : i32
        %add3A_302 = arith.constant 0 : i32
        %add3A_303 = arith.addi %add3A_302, %mul3A_301 : i32
        %swap3A_304 = arith.constant 0 : i32
        %swap3A_305 = arith.constant 14 : i32
        %swap3A_306 = arith.index_cast %swap3A_304 : i32 to index
        %swap3A_307 = arith.index_cast %swap3A_305 : i32 to index
        %swap3A_308 = arith.index_cast %add3A_303 : i32 to index
        %swap3A_309 = tpu.vector_load %arg9[%swap3A_306, %swap3A_307, %swap3A_308] {strides = array<i32>} : memref<1x32x512xf32, #tpu.memory_space<vmem>>, vector<16xf32>,
        tpu.vector_store %arg9[%swap3A_306, %swap3A_307, %swap3A_308], %gather3A_156 {strides = array<i32>} : memref<1x32x512xf32, #tpu.memory_space<vmem>>, vector<16xf32>,
        %mul3A_310 = arith.constant 16 : i32
        %mul3A_311 = arith.muli %scan3A_82, %mul3A_310 : i32
        %add3A_312 = arith.constant 0 : i32
        %add3A_313 = arith.addi %add3A_312, %mul3A_311 : i32
        %swap3A_314 = arith.constant 0 : i32
        %swap3A_315 = arith.constant 15 : i32
        %swap3A_316 = arith.index_cast %swap3A_314 : i32 to index
        %swap3A_317 = arith.index_cast %swap3A_315 : i32 to index
        %swap3A_318 = arith.index_cast %add3A_313 : i32 to index
        %swap3A_319 = tpu.vector_load %arg9[%swap3A_316, %swap3A_317, %swap3A_318] {strides = array<i32>} : memref<1x32x512xf32, #tpu.memory_space<vmem>>, vector<16xf32>,
        tpu.vector_store %arg9[%swap3A_316, %swap3A_317, %swap3A_318], %gather3A_160 {strides = array<i32>} : memref<1x32x512xf32, #tpu.memory_space<vmem>>, vector<16xf32>,
        %add3A_320 = arith.constant 16 : i32
        %add3A_321 = vector.broadcast %add3A_320 : i32 to vector<16xi32>
        %add3A_322 = arith.addi %mul3A_93, %add3A_321 : vector<16xi32>
        %gather3A_323 = tpu.vector_load_idx %arg7[%add3A_97, %add3A_322] : memref<256x128xf32, #tpu.memory_space<vmem>>[vector<16xi32>, vector<16xi32>], vector<16xf32>,
        %add3A_324 = arith.constant 17 : i32
        %add3A_325 = vector.broadcast %add3A_324 : i32 to vector<16xi32>
        %add3A_326 = arith.addi %mul3A_93, %add3A_325 : vector<16xi32>
        %gather3A_327 = tpu.vector_load_idx %arg7[%add3A_97, %add3A_326] : memref<256x128xf32, #tpu.memory_space<vmem>>[vector<16xi32>, vector<16xi32>], vector<16xf32>,
        %add3A_328 = arith.constant 18 : i32
        %add3A_329 = vector.broadcast %add3A_328 : i32 to vector<16xi32>
        %add3A_330 = arith.addi %mul3A_93, %add3A_329 : vector<16xi32>
        %gather3A_331 = tpu.vector_load_idx %arg7[%add3A_97, %add3A_330] : memref<256x128xf32, #tpu.memory_space<vmem>>[vector<16xi32>, vector<16xi32>], vector<16xf32>,
        %add3A_332 = arith.constant 19 : i32
        %add3A_333 = vector.broadcast %add3A_332 : i32 to vector<16xi32>
        %add3A_334 = arith.addi %mul3A_93, %add3A_333 : vector<16xi32>
        %gather3A_335 = tpu.vector_load_idx %arg7[%add3A_97, %add3A_334] : memref<256x128xf32, #tpu.memory_space<vmem>>[vector<16xi32>, vector<16xi32>], vector<16xf32>,
        %add3A_336 = arith.constant 20 : i32
        %add3A_337 = vector.broadcast %add3A_336 : i32 to vector<16xi32>
        %add3A_338 = arith.addi %mul3A_93, %add3A_337 : vector<16xi32>
        %gather3A_339 = tpu.vector_load_idx %arg7[%add3A_97, %add3A_338] : memref<256x128xf32, #tpu.memory_space<vmem>>[vector<16xi32>, vector<16xi32>], vector<16xf32>,
        %add3A_340 = arith.constant 21 : i32
        %add3A_341 = vector.broadcast %add3A_340 : i32 to vector<16xi32>
        %add3A_342 = arith.addi %mul3A_93, %add3A_341 : vector<16xi32>
        %gather3A_343 = tpu.vector_load_idx %arg7[%add3A_97, %add3A_342] : memref<256x128xf32, #tpu.memory_space<vmem>>[vector<16xi32>, vector<16xi32>], vector<16xf32>,
        %add3A_344 = arith.constant 22 : i32
        %add3A_345 = vector.broadcast %add3A_344 : i32 to vector<16xi32>
        %add3A_346 = arith.addi %mul3A_93, %add3A_345 : vector<16xi32>
        %gather3A_347 = tpu.vector_load_idx %arg7[%add3A_97, %add3A_346] : memref<256x128xf32, #tpu.memory_space<vmem>>[vector<16xi32>, vector<16xi32>], vector<16xf32>,
        %add3A_348 = arith.constant 23 : i32
        %add3A_349 = vector.broadcast %add3A_348 : i32 to vector<16xi32>
        %add3A_350 = arith.addi %mul3A_93, %add3A_349 : vector<16xi32>
        %gather3A_351 = tpu.vector_load_idx %arg7[%add3A_97, %add3A_350] : memref<256x128xf32, #tpu.memory_space<vmem>>[vector<16xi32>, vector<16xi32>], vector<16xf32>,
        %add3A_352 = arith.constant 24 : i32
        %add3A_353 = vector.broadcast %add3A_352 : i32 to vector<16xi32>
        %add3A_354 = arith.addi %mul3A_93, %add3A_353 : vector<16xi32>
        %gather3A_355 = tpu.vector_load_idx %arg7[%add3A_97, %add3A_354] : memref<256x128xf32, #tpu.memory_space<vmem>>[vector<16xi32>, vector<16xi32>], vector<16xf32>,
        %add3A_356 = arith.constant 25 : i32
        %add3A_357 = vector.broadcast %add3A_356 : i32 to vector<16xi32>
        %add3A_358 = arith.addi %mul3A_93, %add3A_357 : vector<16xi32>
        %gather3A_359 = tpu.vector_load_idx %arg7[%add3A_97, %add3A_358] : memref<256x128xf32, #tpu.memory_space<vmem>>[vector<16xi32>, vector<16xi32>], vector<16xf32>,
        %add3A_360 = arith.constant 26 : i32
        %add3A_361 = vector.broadcast %add3A_360 : i32 to vector<16xi32>
        %add3A_362 = arith.addi %mul3A_93, %add3A_361 : vector<16xi32>
        %gather3A_363 = tpu.vector_load_idx %arg7[%add3A_97, %add3A_362] : memref<256x128xf32, #tpu.memory_space<vmem>>[vector<16xi32>, vector<16xi32>], vector<16xf32>,
        %add3A_364 = arith.constant 27 : i32
        %add3A_365 = vector.broadcast %add3A_364 : i32 to vector<16xi32>
        %add3A_366 = arith.addi %mul3A_93, %add3A_365 : vector<16xi32>
        %gather3A_367 = tpu.vector_load_idx %arg7[%add3A_97, %add3A_366] : memref<256x128xf32, #tpu.memory_space<vmem>>[vector<16xi32>, vector<16xi32>], vector<16xf32>,
        %add3A_368 = arith.constant 28 : i32
        %add3A_369 = vector.broadcast %add3A_368 : i32 to vector<16xi32>
        %add3A_370 = arith.addi %mul3A_93, %add3A_369 : vector<16xi32>
        %gather3A_371 = tpu.vector_load_idx %arg7[%add3A_97, %add3A_370] : memref<256x128xf32, #tpu.memory_space<vmem>>[vector<16xi32>, vector<16xi32>], vector<16xf32>,
        %add3A_372 = arith.constant 29 : i32
        %add3A_373 = vector.broadcast %add3A_372 : i32 to vector<16xi32>
        %add3A_374 = arith.addi %mul3A_93, %add3A_373 : vector<16xi32>
        %gather3A_375 = tpu.vector_load_idx %arg7[%add3A_97, %add3A_374] : memref<256x128xf32, #tpu.memory_space<vmem>>[vector<16xi32>, vector<16xi32>], vector<16xf32>,
        %add3A_376 = arith.constant 30 : i32
        %add3A_377 = vector.broadcast %add3A_376 : i32 to vector<16xi32>
        %add3A_378 = arith.addi %mul3A_93, %add3A_377 : vector<16xi32>
        %gather3A_379 = tpu.vector_load_idx %arg7[%add3A_97, %add3A_378] : memref<256x128xf32, #tpu.memory_space<vmem>>[vector<16xi32>, vector<16xi32>], vector<16xf32>,
        %add3A_380 = arith.constant 31 : i32
        %add3A_381 = vector.broadcast %add3A_380 : i32 to vector<16xi32>
        %add3A_382 = arith.addi %mul3A_93, %add3A_381 : vector<16xi32>
        %gather3A_383 = tpu.vector_load_idx %arg7[%add3A_97, %add3A_382] : memref<256x128xf32, #tpu.memory_space<vmem>>[vector<16xi32>, vector<16xi32>], vector<16xf32>,
        %mul3A_384 = arith.constant 16 : i32
        %mul3A_385 = arith.muli %scan3A_82, %mul3A_384 : i32
        %add3A_386 = arith.constant 0 : i32
        %add3A_387 = arith.addi %add3A_386, %mul3A_385 : i32
        %swap3A_388 = arith.constant 0 : i32
        %swap3A_389 = arith.constant 16 : i32
        %swap3A_390 = arith.index_cast %swap3A_388 : i32 to index
        %swap3A_391 = arith.index_cast %swap3A_389 : i32 to index
        %swap3A_392 = arith.index_cast %add3A_387 : i32 to index
        %swap3A_393 = tpu.vector_load %arg9[%swap3A_390, %swap3A_391, %swap3A_392] {strides = array<i32>} : memref<1x32x512xf32, #tpu.memory_space<vmem>>, vector<16xf32>,
        tpu.vector_store %arg9[%swap3A_390, %swap3A_391, %swap3A_392], %gather3A_323 {strides = array<i32>} : memref<1x32x512xf32, #tpu.memory_space<vmem>>, vector<16xf32>,
        %mul3A_394 = arith.constant 16 : i32
        %mul3A_395 = arith.muli %scan3A_82, %mul3A_394 : i32
        %add3A_396 = arith.constant 0 : i32
        %add3A_397 = arith.addi %add3A_396, %mul3A_395 : i32
        %swap3A_398 = arith.constant 0 : i32
        %swap3A_399 = arith.constant 17 : i32
        %swap3A_400 = arith.index_cast %swap3A_398 : i32 to index
        %swap3A_401 = arith.index_cast %swap3A_399 : i32 to index
        %swap3A_402 = arith.index_cast %add3A_397 : i32 to index
        %swap3A_403 = tpu.vector_load %arg9[%swap3A_400, %swap3A_401, %swap3A_402] {strides = array<i32>} : memref<1x32x512xf32, #tpu.memory_space<vmem>>, vector<16xf32>,
        tpu.vector_store %arg9[%swap3A_400, %swap3A_401, %swap3A_402], %gather3A_327 {strides = array<i32>} : memref<1x32x512xf32, #tpu.memory_space<vmem>>, vector<16xf32>,
        %mul3A_404 = arith.constant 16 : i32
        %mul3A_405 = arith.muli %scan3A_82, %mul3A_404 : i32
        %add3A_406 = arith.constant 0 : i32
        %add3A_407 = arith.addi %add3A_406, %mul3A_405 : i32
        %swap3A_408 = arith.constant 0 : i32
        %swap3A_409 = arith.constant 18 : i32
        %swap3A_410 = arith.index_cast %swap3A_408 : i32 to index
        %swap3A_411 = arith.index_cast %swap3A_409 : i32 to index
        %swap3A_412 = arith.index_cast %add3A_407 : i32 to index
        %swap3A_413 = tpu.vector_load %arg9[%swap3A_410, %swap3A_411, %swap3A_412] {strides = array<i32>} : memref<1x32x512xf32, #tpu.memory_space<vmem>>, vector<16xf32>,
        tpu.vector_store %arg9[%swap3A_410, %swap3A_411, %swap3A_412], %gather3A_331 {strides = array<i32>} : memref<1x32x512xf32, #tpu.memory_space<vmem>>, vector<16xf32>,
        %mul3A_414 = arith.constant 16 : i32
        %mul3A_415 = arith.muli %scan3A_82, %mul3A_414 : i32
        %add3A_416 = arith.constant 0 : i32
        %add3A_417 = arith.addi %add3A_416, %mul3A_415 : i32
        %swap3A_418 = arith.constant 0 : i32
        %swap3A_419 = arith.constant 19 : i32
        %swap3A_420 = arith.index_cast %swap3A_418 : i32 to index
        %swap3A_421 = arith.index_cast %swap3A_419 : i32 to index
        %swap3A_422 = arith.index_cast %add3A_417 : i32 to index
        %swap3A_423 = tpu.vector_load %arg9[%swap3A_420, %swap3A_421, %swap3A_422] {strides = array<i32>} : memref<1x32x512xf32, #tpu.memory_space<vmem>>, vector<16xf32>,
        tpu.vector_store %arg9[%swap3A_420, %swap3A_421, %swap3A_422], %gather3A_335 {strides = array<i32>} : memref<1x32x512xf32, #tpu.memory_space<vmem>>, vector<16xf32>,
        %mul3A_424 = arith.constant 16 : i32
        %mul3A_425 = arith.muli %scan3A_82, %mul3A_424 : i32
        %add3A_426 = arith.constant 0 : i32
        %add3A_427 = arith.addi %add3A_426, %mul3A_425 : i32
        %swap3A_428 = arith.constant 0 : i32
        %swap3A_429 = arith.constant 20 : i32
        %swap3A_430 = arith.index_cast %swap3A_428 : i32 to index
        %swap3A_431 = arith.index_cast %swap3A_429 : i32 to index
        %swap3A_432 = arith.index_cast %add3A_427 : i32 to index
        %swap3A_433 = tpu.vector_load %arg9[%swap3A_430, %swap3A_431, %swap3A_432] {strides = array<i32>} : memref<1x32x512xf32, #tpu.memory_space<vmem>>, vector<16xf32>,
        tpu.vector_store %arg9[%swap3A_430, %swap3A_431, %swap3A_432], %gather3A_339 {strides = array<i32>} : memref<1x32x512xf32, #tpu.memory_space<vmem>>, vector<16xf32>,
        %mul3A_434 = arith.constant 16 : i32
        %mul3A_435 = arith.muli %scan3A_82, %mul3A_434 : i32
        %add3A_436 = arith.constant 0 : i32
        %add3A_437 = arith.addi %add3A_436, %mul3A_435 : i32
        %swap3A_438 = arith.constant 0 : i32
        %swap3A_439 = arith.constant 21 : i32
        %swap3A_440 = arith.index_cast %swap3A_438 : i32 to index
        %swap3A_441 = arith.index_cast %swap3A_439 : i32 to index
        %swap3A_442 = arith.index_cast %add3A_437 : i32 to index
        %swap3A_443 = tpu.vector_load %arg9[%swap3A_440, %swap3A_441, %swap3A_442] {strides = array<i32>} : memref<1x32x512xf32, #tpu.memory_space<vmem>>, vector<16xf32>,
        tpu.vector_store %arg9[%swap3A_440, %swap3A_441, %swap3A_442], %gather3A_343 {strides = array<i32>} : memref<1x32x512xf32, #tpu.memory_space<vmem>>, vector<16xf32>,
        %mul3A_444 = arith.constant 16 : i32
        %mul3A_445 = arith.muli %scan3A_82, %mul3A_444 : i32
        %add3A_446 = arith.constant 0 : i32
        %add3A_447 = arith.addi %add3A_446, %mul3A_445 : i32
        %swap3A_448 = arith.constant 0 : i32
        %swap3A_449 = arith.constant 22 : i32
        %swap3A_450 = arith.index_cast %swap3A_448 : i32 to index
        %swap3A_451 = arith.index_cast %swap3A_449 : i32 to index
        %swap3A_452 = arith.index_cast %add3A_447 : i32 to index
        %swap3A_453 = tpu.vector_load %arg9[%swap3A_450, %swap3A_451, %swap3A_452] {strides = array<i32>} : memref<1x32x512xf32, #tpu.memory_space<vmem>>, vector<16xf32>,
        tpu.vector_store %arg9[%swap3A_450, %swap3A_451, %swap3A_452], %gather3A_347 {strides = array<i32>} : memref<1x32x512xf32, #tpu.memory_space<vmem>>, vector<16xf32>,
        %mul3A_454 = arith.constant 16 : i32
        %mul3A_455 = arith.muli %scan3A_82, %mul3A_454 : i32
        %add3A_456 = arith.constant 0 : i32
        %add3A_457 = arith.addi %add3A_456, %mul3A_455 : i32
        %swap3A_458 = arith.constant 0 : i32
        %swap3A_459 = arith.constant 23 : i32
        %swap3A_460 = arith.index_cast %swap3A_458 : i32 to index
        %swap3A_461 = arith.index_cast %swap3A_459 : i32 to index
        %swap3A_462 = arith.index_cast %add3A_457 : i32 to index
        %swap3A_463 = tpu.vector_load %arg9[%swap3A_460, %swap3A_461, %swap3A_462] {strides = array<i32>} : memref<1x32x512xf32, #tpu.memory_space<vmem>>, vector<16xf32>,
        tpu.vector_store %arg9[%swap3A_460, %swap3A_461, %swap3A_462], %gather3A_351 {strides = array<i32>} : memref<1x32x512xf32, #tpu.memory_space<vmem>>, vector<16xf32>,
        %mul3A_464 = arith.constant 16 : i32
        %mul3A_465 = arith.muli %scan3A_82, %mul3A_464 : i32
        %add3A_466 = arith.constant 0 : i32
        %add3A_467 = arith.addi %add3A_466, %mul3A_465 : i32
        %swap3A_468 = arith.constant 0 : i32
        %swap3A_469 = arith.constant 24 : i32
        %swap3A_470 = arith.index_cast %swap3A_468 : i32 to index
        %swap3A_471 = arith.index_cast %swap3A_469 : i32 to index
        %swap3A_472 = arith.index_cast %add3A_467 : i32 to index
        %swap3A_473 = tpu.vector_load %arg9[%swap3A_470, %swap3A_471, %swap3A_472] {strides = array<i32>} : memref<1x32x512xf32, #tpu.memory_space<vmem>>, vector<16xf32>,
        tpu.vector_store %arg9[%swap3A_470, %swap3A_471, %swap3A_472], %gather3A_355 {strides = array<i32>} : memref<1x32x512xf32, #tpu.memory_space<vmem>>, vector<16xf32>,
        %mul3A_474 = arith.constant 16 : i32
        %mul3A_475 = arith.muli %scan3A_82, %mul3A_474 : i32
        %add3A_476 = arith.constant 0 : i32
        %add3A_477 = arith.addi %add3A_476, %mul3A_475 : i32
        %swap3A_478 = arith.constant 0 : i32
        %swap3A_479 = arith.constant 25 : i32
        %swap3A_480 = arith.index_cast %swap3A_478 : i32 to index
        %swap3A_481 = arith.index_cast %swap3A_479 : i32 to index
        %swap3A_482 = arith.index_cast %add3A_477 : i32 to index
        %swap3A_483 = tpu.vector_load %arg9[%swap3A_480, %swap3A_481, %swap3A_482] {strides = array<i32>} : memref<1x32x512xf32, #tpu.memory_space<vmem>>, vector<16xf32>,
        tpu.vector_store %arg9[%swap3A_480, %swap3A_481, %swap3A_482], %gather3A_359 {strides = array<i32>} : memref<1x32x512xf32, #tpu.memory_space<vmem>>, vector<16xf32>,
        %mul3A_484 = arith.constant 16 : i32
        %mul3A_485 = arith.muli %scan3A_82, %mul3A_484 : i32
        %add3A_486 = arith.constant 0 : i32
        %add3A_487 = arith.addi %add3A_486, %mul3A_485 : i32
        %swap3A_488 = arith.constant 0 : i32
        %swap3A_489 = arith.constant 26 : i32
        %swap3A_490 = arith.index_cast %swap3A_488 : i32 to index
        %swap3A_491 = arith.index_cast %swap3A_489 : i32 to index
        %swap3A_492 = arith.index_cast %add3A_487 : i32 to index
        %swap3A_493 = tpu.vector_load %arg9[%swap3A_490, %swap3A_491, %swap3A_492] {strides = array<i32>} : memref<1x32x512xf32, #tpu.memory_space<vmem>>, vector<16xf32>,
        tpu.vector_store %arg9[%swap3A_490, %swap3A_491, %swap3A_492], %gather3A_363 {strides = array<i32>} : memref<1x32x512xf32, #tpu.memory_space<vmem>>, vector<16xf32>,
        %mul3A_494 = arith.constant 16 : i32
        %mul3A_495 = arith.muli %scan3A_82, %mul3A_494 : i32
        %add3A_496 = arith.constant 0 : i32
        %add3A_497 = arith.addi %add3A_496, %mul3A_495 : i32
        %swap3A_498 = arith.constant 0 : i32
        %swap3A_499 = arith.constant 27 : i32
        %swap3A_500 = arith.index_cast %swap3A_498 : i32 to index
        %swap3A_501 = arith.index_cast %swap3A_499 : i32 to index
        %swap3A_502 = arith.index_cast %add3A_497 : i32 to index
        %swap3A_503 = tpu.vector_load %arg9[%swap3A_500, %swap3A_501, %swap3A_502] {strides = array<i32>} : memref<1x32x512xf32, #tpu.memory_space<vmem>>, vector<16xf32>,
        tpu.vector_store %arg9[%swap3A_500, %swap3A_501, %swap3A_502], %gather3A_367 {strides = array<i32>} : memref<1x32x512xf32, #tpu.memory_space<vmem>>, vector<16xf32>,
        %mul3A_504 = arith.constant 16 : i32
        %mul3A_505 = arith.muli %scan3A_82, %mul3A_504 : i32
        %add3A_506 = arith.constant 0 : i32
        %add3A_507 = arith.addi %add3A_506, %mul3A_505 : i32
        %swap3A_508 = arith.constant 0 : i32
        %swap3A_509 = arith.constant 28 : i32
        %swap3A_510 = arith.index_cast %swap3A_508 : i32 to index
        %swap3A_511 = arith.index_cast %swap3A_509 : i32 to index
        %swap3A_512 = arith.index_cast %add3A_507 : i32 to index
        %swap3A_513 = tpu.vector_load %arg9[%swap3A_510, %swap3A_511, %swap3A_512] {strides = array<i32>} : memref<1x32x512xf32, #tpu.memory_space<vmem>>, vector<16xf32>,
        tpu.vector_store %arg9[%swap3A_510, %swap3A_511, %swap3A_512], %gather3A_371 {strides = array<i32>} : memref<1x32x512xf32, #tpu.memory_space<vmem>>, vector<16xf32>,
        %mul3A_514 = arith.constant 16 : i32
        %mul3A_515 = arith.muli %scan3A_82, %mul3A_514 : i32
        %add3A_516 = arith.constant 0 : i32
        %add3A_517 = arith.addi %add3A_516, %mul3A_515 : i32
        %swap3A_518 = arith.constant 0 : i32
        %swap3A_519 = arith.constant 29 : i32
        %swap3A_520 = arith.index_cast %swap3A_518 : i32 to index
        %swap3A_521 = arith.index_cast %swap3A_519 : i32 to index
        %swap3A_522 = arith.index_cast %add3A_517 : i32 to index
        %swap3A_523 = tpu.vector_load %arg9[%swap3A_520, %swap3A_521, %swap3A_522] {strides = array<i32>} : memref<1x32x512xf32, #tpu.memory_space<vmem>>, vector<16xf32>,
        tpu.vector_store %arg9[%swap3A_520, %swap3A_521, %swap3A_522], %gather3A_375 {strides = array<i32>} : memref<1x32x512xf32, #tpu.memory_space<vmem>>, vector<16xf32>,
        %mul3A_524 = arith.constant 16 : i32
        %mul3A_525 = arith.muli %scan3A_82, %mul3A_524 : i32
        %add3A_526 = arith.constant 0 : i32
        %add3A_527 = arith.addi %add3A_526, %mul3A_525 : i32
        %swap3A_528 = arith.constant 0 : i32
        %swap3A_529 = arith.constant 30 : i32
        %swap3A_530 = arith.index_cast %swap3A_528 : i32 to index
        %swap3A_531 = arith.index_cast %swap3A_529 : i32 to index
        %swap3A_532 = arith.index_cast %add3A_527 : i32 to index
        %swap3A_533 = tpu.vector_load %arg9[%swap3A_530, %swap3A_531, %swap3A_532] {strides = array<i32>} : memref<1x32x512xf32, #tpu.memory_space<vmem>>, vector<16xf32>,
        tpu.vector_store %arg9[%swap3A_530, %swap3A_531, %swap3A_532], %gather3A_379 {strides = array<i32>} : memref<1x32x512xf32, #tpu.memory_space<vmem>>, vector<16xf32>,
        %mul3A_534 = arith.constant 16 : i32
        %mul3A_535 = arith.muli %scan3A_82, %mul3A_534 : i32
        %add3A_536 = arith.constant 0 : i32
        %add3A_537 = arith.addi %add3A_536, %mul3A_535 : i32
        %swap3A_538 = arith.constant 0 : i32
        %swap3A_539 = arith.constant 31 : i32
        %swap3A_540 = arith.index_cast %swap3A_538 : i32 to index
        %swap3A_541 = arith.index_cast %swap3A_539 : i32 to index
        %swap3A_542 = arith.index_cast %add3A_537 : i32 to index
        %swap3A_543 = tpu.vector_load %arg9[%swap3A_540, %swap3A_541, %swap3A_542] {strides = array<i32>} : memref<1x32x512xf32, #tpu.memory_space<vmem>>, vector<16xf32>,
        tpu.vector_store %arg9[%swap3A_540, %swap3A_541, %swap3A_542], %gather3A_383 {strides = array<i32>} : memref<1x32x512xf32, #tpu.memory_space<vmem>>, vector<16xf32>,
      }
      %scan3A_57 = arith.constant 16 : i32
      %add3A_58 = arith.constant 1 : i32
      %add3A_59 = arith.addi %scan3A_34, %add3A_58 : i32
      %mul3A_60 = arith.constant 512 : i32
      %mul3A_61 = arith.muli %add3A_59, %mul3A_60 : i32
      %ge3A = arith.constant 13312 : i32
      %ge3A_62 = arith.cmpi sge, %mul3A_61, %ge3A : i32
      %jit3A = arith.constant 0 : i32
      %select_n3A = arith.select %ge3A_62, %jit3A, %mul3A_61 : i32
      %dma_start3A_63 = tpu.memref_slice %arg6[%select_n3A] : memref<13312xi32, #tpu.memory_space<vmem>> -> memref<256xi32, #tpu.memory_space<vmem>>
      %dma_start3A_64 = arith.constant 0 : i32
      %dma_start3A_65 = arith.constant 0 : i32
      %dma_start3A_66 = tpu.memref_slice %arg3[%dma_start3A_64, %dma_start3A_65] : memref<250000x128xf32, #tpu.memory_space<hbm>> -> memref<250000x128xf32, #tpu.memory_space<hbm>>
      tpu.enqueue_indirect_dma source(%dma_start3A_66 : memref<250000x128xf32, #tpu.memory_space<hbm>>) target(%arg7 : memref<256x128xf32, #tpu.memory_space<vmem>>) offsets(%dma_start3A_63 : memref<256xi32, #tpu.memory_space<vmem>>) semaphore(%arg10 : memref<!tpu.dma_semaphore, #tpu.memory_space<semaphore_mem>>)
      %dma_wait3A_67 = arith.constant 0 : i32
      %dma_wait3A_68 = tpu.memref_slice %arg6[%dma_wait3A_67] : memref<13312xi32, #tpu.memory_space<vmem>> -> memref<256xi32, #tpu.memory_space<vmem>>
      %dma_wait3A_69 = arith.constant 0 : i32
      %dma_wait3A_70 = arith.constant 0 : i32
      %dma_wait3A_71 = tpu.memref_slice %arg3[%dma_wait3A_69, %dma_wait3A_70] : memref<250000x128xf32, #tpu.memory_space<hbm>> -> memref<250000x128xf32, #tpu.memory_space<hbm>>
      tpu.wait_indirect_dma semaphore(%arg11 : memref<!tpu.dma_semaphore, #tpu.memory_space<semaphore_mem>>) src(%dma_wait3A_71 : memref<250000x128xf32, #tpu.memory_space<hbm>>) dst(%arg8 : memref<256x128xf32, #tpu.memory_space<vmem>>)
      %scan3A_72 = arith.constant 0 : i32
      %scan3A_73 = arith.constant 0 : i32
      %scan3A_74 = arith.constant 16 : i32
      %scan3A_75 = arith.addi %scan3A_73, %scan3A_74 : i32
      %scan3A_76 = arith.constant 1 : i32
      scf.for %scan3A_82 = %scan3A_73 to %scan3A_75 step %scan3A_76  : i32 {
        %mul3A_83 = arith.constant 16 : i32
        %mul3A_84 = arith.muli %scan3A_82, %mul3A_83 : i32
        %add3A_85 = arith.constant 256 : i32
        %add3A_86 = arith.addi %add3A_85, %mul3A_84 : i32
        %get3A = arith.index_cast %scan3A_34 : i32 to index
        %get3A_87 = arith.index_cast %add3A_86 : i32 to index
        %get3A_88 = tpu.vector_load %arg5[%get3A, %get3A_87] {strides = array<i32>} : memref<26x512xi32, #tpu.memory_space<vmem>>, vector<16xi32>,
        %and3A = arith.constant 3 : i32
        %and3A_89 = vector.broadcast %and3A : i32 to vector<16xi32>
        %and3A_90 = arith.andi %get3A_88, %and3A_89 : vector<16xi32>
        %mul3A_91 = arith.constant 32 : i32
        %mul3A_92 = vector.broadcast %mul3A_91 : i32 to vector<16xi32>
        %mul3A_93 = arith.muli %and3A_90, %mul3A_92 : vector<16xi32>
        %mul3A_94 = arith.constant 16 : i32
        %mul3A_95 = arith.muli %scan3A_82, %mul3A_94 : i32
        %add3A_96 = vector.broadcast %mul3A_95 : i32 to vector<16xi32>
        %add3A_97 = arith.addi %add3A_96, %iota3A : vector<16xi32>
        %add3A_98 = arith.constant 0 : i32
        %add3A_99 = vector.broadcast %add3A_98 : i32 to vector<16xi32>
        %add3A_100 = arith.addi %mul3A_93, %add3A_99 : vector<16xi32>
        %gather3A = tpu.vector_load_idx %arg8[%add3A_97, %add3A_100] : memref<256x128xf32, #tpu.memory_space<vmem>>[vector<16xi32>, vector<16xi32>], vector<16xf32>,
        %add3A_101 = arith.constant 1 : i32
        %add3A_102 = vector.broadcast %add3A_101 : i32 to vector<16xi32>
        %add3A_103 = arith.addi %mul3A_93, %add3A_102 : vector<16xi32>
        %gather3A_104 = tpu.vector_load_idx %arg8[%add3A_97, %add3A_103] : memref<256x128xf32, #tpu.memory_space<vmem>>[vector<16xi32>, vector<16xi32>], vector<16xf32>,
        %add3A_105 = arith.constant 2 : i32
        %add3A_106 = vector.broadcast %add3A_105 : i32 to vector<16xi32>
        %add3A_107 = arith.addi %mul3A_93, %add3A_106 : vector<16xi32>
        %gather3A_108 = tpu.vector_load_idx %arg8[%add3A_97, %add3A_107] : memref<256x128xf32, #tpu.memory_space<vmem>>[vector<16xi32>, vector<16xi32>], vector<16xf32>,
        %add3A_109 = arith.constant 3 : i32
        %add3A_110 = vector.broadcast %add3A_109 : i32 to vector<16xi32>
        %add3A_111 = arith.addi %mul3A_93, %add3A_110 : vector<16xi32>
        %gather3A_112 = tpu.vector_load_idx %arg8[%add3A_97, %add3A_111] : memref<256x128xf32, #tpu.memory_space<vmem>>[vector<16xi32>, vector<16xi32>], vector<16xf32>,
        %add3A_113 = arith.constant 4 : i32
        %add3A_114 = vector.broadcast %add3A_113 : i32 to vector<16xi32>
        %add3A_115 = arith.addi %mul3A_93, %add3A_114 : vector<16xi32>
        %gather3A_116 = tpu.vector_load_idx %arg8[%add3A_97, %add3A_115] : memref<256x128xf32, #tpu.memory_space<vmem>>[vector<16xi32>, vector<16xi32>], vector<16xf32>,
        %add3A_117 = arith.constant 5 : i32
        %add3A_118 = vector.broadcast %add3A_117 : i32 to vector<16xi32>
        %add3A_119 = arith.addi %mul3A_93, %add3A_118 : vector<16xi32>
        %gather3A_120 = tpu.vector_load_idx %arg8[%add3A_97, %add3A_119] : memref<256x128xf32, #tpu.memory_space<vmem>>[vector<16xi32>, vector<16xi32>], vector<16xf32>,
        %add3A_121 = arith.constant 6 : i32
        %add3A_122 = vector.broadcast %add3A_121 : i32 to vector<16xi32>
        %add3A_123 = arith.addi %mul3A_93, %add3A_122 : vector<16xi32>
        %gather3A_124 = tpu.vector_load_idx %arg8[%add3A_97, %add3A_123] : memref<256x128xf32, #tpu.memory_space<vmem>>[vector<16xi32>, vector<16xi32>], vector<16xf32>,
        %add3A_125 = arith.constant 7 : i32
        %add3A_126 = vector.broadcast %add3A_125 : i32 to vector<16xi32>
        %add3A_127 = arith.addi %mul3A_93, %add3A_126 : vector<16xi32>
        %gather3A_128 = tpu.vector_load_idx %arg8[%add3A_97, %add3A_127] : memref<256x128xf32, #tpu.memory_space<vmem>>[vector<16xi32>, vector<16xi32>], vector<16xf32>,
        %add3A_129 = arith.constant 8 : i32
        %add3A_130 = vector.broadcast %add3A_129 : i32 to vector<16xi32>
        %add3A_131 = arith.addi %mul3A_93, %add3A_130 : vector<16xi32>
        %gather3A_132 = tpu.vector_load_idx %arg8[%add3A_97, %add3A_131] : memref<256x128xf32, #tpu.memory_space<vmem>>[vector<16xi32>, vector<16xi32>], vector<16xf32>,
        %add3A_133 = arith.constant 9 : i32
        %add3A_134 = vector.broadcast %add3A_133 : i32 to vector<16xi32>
        %add3A_135 = arith.addi %mul3A_93, %add3A_134 : vector<16xi32>
        %gather3A_136 = tpu.vector_load_idx %arg8[%add3A_97, %add3A_135] : memref<256x128xf32, #tpu.memory_space<vmem>>[vector<16xi32>, vector<16xi32>], vector<16xf32>,
        %add3A_137 = arith.constant 10 : i32
        %add3A_138 = vector.broadcast %add3A_137 : i32 to vector<16xi32>
        %add3A_139 = arith.addi %mul3A_93, %add3A_138 : vector<16xi32>
        %gather3A_140 = tpu.vector_load_idx %arg8[%add3A_97, %add3A_139] : memref<256x128xf32, #tpu.memory_space<vmem>>[vector<16xi32>, vector<16xi32>], vector<16xf32>,
        %add3A_141 = arith.constant 11 : i32
        %add3A_142 = vector.broadcast %add3A_141 : i32 to vector<16xi32>
        %add3A_143 = arith.addi %mul3A_93, %add3A_142 : vector<16xi32>
        %gather3A_144 = tpu.vector_load_idx %arg8[%add3A_97, %add3A_143] : memref<256x128xf32, #tpu.memory_space<vmem>>[vector<16xi32>, vector<16xi32>], vector<16xf32>,
        %add3A_145 = arith.constant 12 : i32
        %add3A_146 = vector.broadcast %add3A_145 : i32 to vector<16xi32>
        %add3A_147 = arith.addi %mul3A_93, %add3A_146 : vector<16xi32>
        %gather3A_148 = tpu.vector_load_idx %arg8[%add3A_97, %add3A_147] : memref<256x128xf32, #tpu.memory_space<vmem>>[vector<16xi32>, vector<16xi32>], vector<16xf32>,
        %add3A_149 = arith.constant 13 : i32
        %add3A_150 = vector.broadcast %add3A_149 : i32 to vector<16xi32>
        %add3A_151 = arith.addi %mul3A_93, %add3A_150 : vector<16xi32>
        %gather3A_152 = tpu.vector_load_idx %arg8[%add3A_97, %add3A_151] : memref<256x128xf32, #tpu.memory_space<vmem>>[vector<16xi32>, vector<16xi32>], vector<16xf32>,
        %add3A_153 = arith.constant 14 : i32
        %add3A_154 = vector.broadcast %add3A_153 : i32 to vector<16xi32>
        %add3A_155 = arith.addi %mul3A_93, %add3A_154 : vector<16xi32>
        %gather3A_156 = tpu.vector_load_idx %arg8[%add3A_97, %add3A_155] : memref<256x128xf32, #tpu.memory_space<vmem>>[vector<16xi32>, vector<16xi32>], vector<16xf32>,
        %add3A_157 = arith.constant 15 : i32
        %add3A_158 = vector.broadcast %add3A_157 : i32 to vector<16xi32>
        %add3A_159 = arith.addi %mul3A_93, %add3A_158 : vector<16xi32>
        %gather3A_160 = tpu.vector_load_idx %arg8[%add3A_97, %add3A_159] : memref<256x128xf32, #tpu.memory_space<vmem>>[vector<16xi32>, vector<16xi32>], vector<16xf32>,
        %mul3A_161 = arith.constant 16 : i32
        %mul3A_162 = arith.muli %scan3A_82, %mul3A_161 : i32
        %add3A_163 = arith.constant 256 : i32
        %add3A_164 = arith.addi %add3A_163, %mul3A_162 : i32
        %swap3A = arith.constant 0 : i32
        %swap3A_165 = arith.constant 0 : i32
        %swap3A_166 = arith.index_cast %swap3A : i32 to index
        %swap3A_167 = arith.index_cast %swap3A_165 : i32 to index
        %swap3A_168 = arith.index_cast %add3A_164 : i32 to index
        %swap3A_169 = tpu.vector_load %arg9[%swap3A_166, %swap3A_167, %swap3A_168] {strides = array<i32>} : memref<1x32x512xf32, #tpu.memory_space<vmem>>, vector<16xf32>,
        tpu.vector_store %arg9[%swap3A_166, %swap3A_167, %swap3A_168], %gather3A {strides = array<i32>} : memref<1x32x512xf32, #tpu.memory_space<vmem>>, vector<16xf32>,
        %mul3A_170 = arith.constant 16 : i32
        %mul3A_171 = arith.muli %scan3A_82, %mul3A_170 : i32
        %add3A_172 = arith.constant 256 : i32
        %add3A_173 = arith.addi %add3A_172, %mul3A_171 : i32
        %swap3A_174 = arith.constant 0 : i32
        %swap3A_175 = arith.constant 1 : i32
        %swap3A_176 = arith.index_cast %swap3A_174 : i32 to index
        %swap3A_177 = arith.index_cast %swap3A_175 : i32 to index
        %swap3A_178 = arith.index_cast %add3A_173 : i32 to index
        %swap3A_179 = tpu.vector_load %arg9[%swap3A_176, %swap3A_177, %swap3A_178] {strides = array<i32>} : memref<1x32x512xf32, #tpu.memory_space<vmem>>, vector<16xf32>,
        tpu.vector_store %arg9[%swap3A_176, %swap3A_177, %swap3A_178], %gather3A_104 {strides = array<i32>} : memref<1x32x512xf32, #tpu.memory_space<vmem>>, vector<16xf32>,
        %mul3A_180 = arith.constant 16 : i32
        %mul3A_181 = arith.muli %scan3A_82, %mul3A_180 : i32
        %add3A_182 = arith.constant 256 : i32
        %add3A_183 = arith.addi %add3A_182, %mul3A_181 : i32
        %swap3A_184 = arith.constant 0 : i32
        %swap3A_185 = arith.constant 2 : i32
        %swap3A_186 = arith.index_cast %swap3A_184 : i32 to index
        %swap3A_187 = arith.index_cast %swap3A_185 : i32 to index
        %swap3A_188 = arith.index_cast %add3A_183 : i32 to index
        %swap3A_189 = tpu.vector_load %arg9[%swap3A_186, %swap3A_187, %swap3A_188] {strides = array<i32>} : memref<1x32x512xf32, #tpu.memory_space<vmem>>, vector<16xf32>,
        tpu.vector_store %arg9[%swap3A_186, %swap3A_187, %swap3A_188], %gather3A_108 {strides = array<i32>} : memref<1x32x512xf32, #tpu.memory_space<vmem>>, vector<16xf32>,
        %mul3A_190 = arith.constant 16 : i32
        %mul3A_191 = arith.muli %scan3A_82, %mul3A_190 : i32
        %add3A_192 = arith.constant 256 : i32
        %add3A_193 = arith.addi %add3A_192, %mul3A_191 : i32
        %swap3A_194 = arith.constant 0 : i32
        %swap3A_195 = arith.constant 3 : i32
        %swap3A_196 = arith.index_cast %swap3A_194 : i32 to index
        %swap3A_197 = arith.index_cast %swap3A_195 : i32 to index
        %swap3A_198 = arith.index_cast %add3A_193 : i32 to index
        %swap3A_199 = tpu.vector_load %arg9[%swap3A_196, %swap3A_197, %swap3A_198] {strides = array<i32>} : memref<1x32x512xf32, #tpu.memory_space<vmem>>, vector<16xf32>,
        tpu.vector_store %arg9[%swap3A_196, %swap3A_197, %swap3A_198], %gather3A_112 {strides = array<i32>} : memref<1x32x512xf32, #tpu.memory_space<vmem>>, vector<16xf32>,
        %mul3A_200 = arith.constant 16 : i32
        %mul3A_201 = arith.muli %scan3A_82, %mul3A_200 : i32
        %add3A_202 = arith.constant 256 : i32
        %add3A_203 = arith.addi %add3A_202, %mul3A_201 : i32
        %swap3A_204 = arith.constant 0 : i32
        %swap3A_205 = arith.constant 4 : i32
        %swap3A_206 = arith.index_cast %swap3A_204 : i32 to index
        %swap3A_207 = arith.index_cast %swap3A_205 : i32 to index
        %swap3A_208 = arith.index_cast %add3A_203 : i32 to index
        %swap3A_209 = tpu.vector_load %arg9[%swap3A_206, %swap3A_207, %swap3A_208] {strides = array<i32>} : memref<1x32x512xf32, #tpu.memory_space<vmem>>, vector<16xf32>,
        tpu.vector_store %arg9[%swap3A_206, %swap3A_207, %swap3A_208], %gather3A_116 {strides = array<i32>} : memref<1x32x512xf32, #tpu.memory_space<vmem>>, vector<16xf32>,
        %mul3A_210 = arith.constant 16 : i32
        %mul3A_211 = arith.muli %scan3A_82, %mul3A_210 : i32
        %add3A_212 = arith.constant 256 : i32
        %add3A_213 = arith.addi %add3A_212, %mul3A_211 : i32
        %swap3A_214 = arith.constant 0 : i32
        %swap3A_215 = arith.constant 5 : i32
        %swap3A_216 = arith.index_cast %swap3A_214 : i32 to index
        %swap3A_217 = arith.index_cast %swap3A_215 : i32 to index
        %swap3A_218 = arith.index_cast %add3A_213 : i32 to index
        %swap3A_219 = tpu.vector_load %arg9[%swap3A_216, %swap3A_217, %swap3A_218] {strides = array<i32>} : memref<1x32x512xf32, #tpu.memory_space<vmem>>, vector<16xf32>,
        tpu.vector_store %arg9[%swap3A_216, %swap3A_217, %swap3A_218], %gather3A_120 {strides = array<i32>} : memref<1x32x512xf32, #tpu.memory_space<vmem>>, vector<16xf32>,
        %mul3A_220 = arith.constant 16 : i32
        %mul3A_221 = arith.muli %scan3A_82, %mul3A_220 : i32
        %add3A_222 = arith.constant 256 : i32
        %add3A_223 = arith.addi %add3A_222, %mul3A_221 : i32
        %swap3A_224 = arith.constant 0 : i32
        %swap3A_225 = arith.constant 6 : i32
        %swap3A_226 = arith.index_cast %swap3A_224 : i32 to index
        %swap3A_227 = arith.index_cast %swap3A_225 : i32 to index
        %swap3A_228 = arith.index_cast %add3A_223 : i32 to index
        %swap3A_229 = tpu.vector_load %arg9[%swap3A_226, %swap3A_227, %swap3A_228] {strides = array<i32>} : memref<1x32x512xf32, #tpu.memory_space<vmem>>, vector<16xf32>,
        tpu.vector_store %arg9[%swap3A_226, %swap3A_227, %swap3A_228], %gather3A_124 {strides = array<i32>} : memref<1x32x512xf32, #tpu.memory_space<vmem>>, vector<16xf32>,
        %mul3A_230 = arith.constant 16 : i32
        %mul3A_231 = arith.muli %scan3A_82, %mul3A_230 : i32
        %add3A_232 = arith.constant 256 : i32
        %add3A_233 = arith.addi %add3A_232, %mul3A_231 : i32
        %swap3A_234 = arith.constant 0 : i32
        %swap3A_235 = arith.constant 7 : i32
        %swap3A_236 = arith.index_cast %swap3A_234 : i32 to index
        %swap3A_237 = arith.index_cast %swap3A_235 : i32 to index
        %swap3A_238 = arith.index_cast %add3A_233 : i32 to index
        %swap3A_239 = tpu.vector_load %arg9[%swap3A_236, %swap3A_237, %swap3A_238] {strides = array<i32>} : memref<1x32x512xf32, #tpu.memory_space<vmem>>, vector<16xf32>,
        tpu.vector_store %arg9[%swap3A_236, %swap3A_237, %swap3A_238], %gather3A_128 {strides = array<i32>} : memref<1x32x512xf32, #tpu.memory_space<vmem>>, vector<16xf32>,
        %mul3A_240 = arith.constant 16 : i32
        %mul3A_241 = arith.muli %scan3A_82, %mul3A_240 : i32
        %add3A_242 = arith.constant 256 : i32
        %add3A_243 = arith.addi %add3A_242, %mul3A_241 : i32
        %swap3A_244 = arith.constant 0 : i32
        %swap3A_245 = arith.constant 8 : i32
        %swap3A_246 = arith.index_cast %swap3A_244 : i32 to index
        %swap3A_247 = arith.index_cast %swap3A_245 : i32 to index
        %swap3A_248 = arith.index_cast %add3A_243 : i32 to index
        %swap3A_249 = tpu.vector_load %arg9[%swap3A_246, %swap3A_247, %swap3A_248] {strides = array<i32>} : memref<1x32x512xf32, #tpu.memory_space<vmem>>, vector<16xf32>,
        tpu.vector_store %arg9[%swap3A_246, %swap3A_247, %swap3A_248], %gather3A_132 {strides = array<i32>} : memref<1x32x512xf32, #tpu.memory_space<vmem>>, vector<16xf32>,
        %mul3A_250 = arith.constant 16 : i32
        %mul3A_251 = arith.muli %scan3A_82, %mul3A_250 : i32
        %add3A_252 = arith.constant 256 : i32
        %add3A_253 = arith.addi %add3A_252, %mul3A_251 : i32
        %swap3A_254 = arith.constant 0 : i32
        %swap3A_255 = arith.constant 9 : i32
        %swap3A_256 = arith.index_cast %swap3A_254 : i32 to index
        %swap3A_257 = arith.index_cast %swap3A_255 : i32 to index
        %swap3A_258 = arith.index_cast %add3A_253 : i32 to index
        %swap3A_259 = tpu.vector_load %arg9[%swap3A_256, %swap3A_257, %swap3A_258] {strides = array<i32>} : memref<1x32x512xf32, #tpu.memory_space<vmem>>, vector<16xf32>,
        tpu.vector_store %arg9[%swap3A_256, %swap3A_257, %swap3A_258], %gather3A_136 {strides = array<i32>} : memref<1x32x512xf32, #tpu.memory_space<vmem>>, vector<16xf32>,
        %mul3A_260 = arith.constant 16 : i32
        %mul3A_261 = arith.muli %scan3A_82, %mul3A_260 : i32
        %add3A_262 = arith.constant 256 : i32
        %add3A_263 = arith.addi %add3A_262, %mul3A_261 : i32
        %swap3A_264 = arith.constant 0 : i32
        %swap3A_265 = arith.constant 10 : i32
        %swap3A_266 = arith.index_cast %swap3A_264 : i32 to index
        %swap3A_267 = arith.index_cast %swap3A_265 : i32 to index
        %swap3A_268 = arith.index_cast %add3A_263 : i32 to index
        %swap3A_269 = tpu.vector_load %arg9[%swap3A_266, %swap3A_267, %swap3A_268] {strides = array<i32>} : memref<1x32x512xf32, #tpu.memory_space<vmem>>, vector<16xf32>,
        tpu.vector_store %arg9[%swap3A_266, %swap3A_267, %swap3A_268], %gather3A_140 {strides = array<i32>} : memref<1x32x512xf32, #tpu.memory_space<vmem>>, vector<16xf32>,
        %mul3A_270 = arith.constant 16 : i32
        %mul3A_271 = arith.muli %scan3A_82, %mul3A_270 : i32
        %add3A_272 = arith.constant 256 : i32
        %add3A_273 = arith.addi %add3A_272, %mul3A_271 : i32
        %swap3A_274 = arith.constant 0 : i32
        %swap3A_275 = arith.constant 11 : i32
        %swap3A_276 = arith.index_cast %swap3A_274 : i32 to index
        %swap3A_277 = arith.index_cast %swap3A_275 : i32 to index
        %swap3A_278 = arith.index_cast %add3A_273 : i32 to index
        %swap3A_279 = tpu.vector_load %arg9[%swap3A_276, %swap3A_277, %swap3A_278] {strides = array<i32>} : memref<1x32x512xf32, #tpu.memory_space<vmem>>, vector<16xf32>,
        tpu.vector_store %arg9[%swap3A_276, %swap3A_277, %swap3A_278], %gather3A_144 {strides = array<i32>} : memref<1x32x512xf32, #tpu.memory_space<vmem>>, vector<16xf32>,
        %mul3A_280 = arith.constant 16 : i32
        %mul3A_281 = arith.muli %scan3A_82, %mul3A_280 : i32
        %add3A_282 = arith.constant 256 : i32
        %add3A_283 = arith.addi %add3A_282, %mul3A_281 : i32
        %swap3A_284 = arith.constant 0 : i32
        %swap3A_285 = arith.constant 12 : i32
        %swap3A_286 = arith.index_cast %swap3A_284 : i32 to index
        %swap3A_287 = arith.index_cast %swap3A_285 : i32 to index
        %swap3A_288 = arith.index_cast %add3A_283 : i32 to index
        %swap3A_289 = tpu.vector_load %arg9[%swap3A_286, %swap3A_287, %swap3A_288] {strides = array<i32>} : memref<1x32x512xf32, #tpu.memory_space<vmem>>, vector<16xf32>,
        tpu.vector_store %arg9[%swap3A_286, %swap3A_287, %swap3A_288], %gather3A_148 {strides = array<i32>} : memref<1x32x512xf32, #tpu.memory_space<vmem>>, vector<16xf32>,
        %mul3A_290 = arith.constant 16 : i32
        %mul3A_291 = arith.muli %scan3A_82, %mul3A_290 : i32
        %add3A_292 = arith.constant 256 : i32
        %add3A_293 = arith.addi %add3A_292, %mul3A_291 : i32
        %swap3A_294 = arith.constant 0 : i32
        %swap3A_295 = arith.constant 13 : i32
        %swap3A_296 = arith.index_cast %swap3A_294 : i32 to index
        %swap3A_297 = arith.index_cast %swap3A_295 : i32 to index
        %swap3A_298 = arith.index_cast %add3A_293 : i32 to index
        %swap3A_299 = tpu.vector_load %arg9[%swap3A_296, %swap3A_297, %swap3A_298] {strides = array<i32>} : memref<1x32x512xf32, #tpu.memory_space<vmem>>, vector<16xf32>,
        tpu.vector_store %arg9[%swap3A_296, %swap3A_297, %swap3A_298], %gather3A_152 {strides = array<i32>} : memref<1x32x512xf32, #tpu.memory_space<vmem>>, vector<16xf32>,
        %mul3A_300 = arith.constant 16 : i32
        %mul3A_301 = arith.muli %scan3A_82, %mul3A_300 : i32
        %add3A_302 = arith.constant 256 : i32
        %add3A_303 = arith.addi %add3A_302, %mul3A_301 : i32
        %swap3A_304 = arith.constant 0 : i32
        %swap3A_305 = arith.constant 14 : i32
        %swap3A_306 = arith.index_cast %swap3A_304 : i32 to index
        %swap3A_307 = arith.index_cast %swap3A_305 : i32 to index
        %swap3A_308 = arith.index_cast %add3A_303 : i32 to index
        %swap3A_309 = tpu.vector_load %arg9[%swap3A_306, %swap3A_307, %swap3A_308] {strides = array<i32>} : memref<1x32x512xf32, #tpu.memory_space<vmem>>, vector<16xf32>,
        tpu.vector_store %arg9[%swap3A_306, %swap3A_307, %swap3A_308], %gather3A_156 {strides = array<i32>} : memref<1x32x512xf32, #tpu.memory_space<vmem>>, vector<16xf32>,
        %mul3A_310 = arith.constant 16 : i32
        %mul3A_311 = arith.muli %scan3A_82, %mul3A_310 : i32
        %add3A_312 = arith.constant 256 : i32
        %add3A_313 = arith.addi %add3A_312, %mul3A_311 : i32
        %swap3A_314 = arith.constant 0 : i32
        %swap3A_315 = arith.constant 15 : i32
        %swap3A_316 = arith.index_cast %swap3A_314 : i32 to index
        %swap3A_317 = arith.index_cast %swap3A_315 : i32 to index
        %swap3A_318 = arith.index_cast %add3A_313 : i32 to index
        %swap3A_319 = tpu.vector_load %arg9[%swap3A_316, %swap3A_317, %swap3A_318] {strides = array<i32>} : memref<1x32x512xf32, #tpu.memory_space<vmem>>, vector<16xf32>,
        tpu.vector_store %arg9[%swap3A_316, %swap3A_317, %swap3A_318], %gather3A_160 {strides = array<i32>} : memref<1x32x512xf32, #tpu.memory_space<vmem>>, vector<16xf32>,
        %add3A_320 = arith.constant 16 : i32
        %add3A_321 = vector.broadcast %add3A_320 : i32 to vector<16xi32>
        %add3A_322 = arith.addi %mul3A_93, %add3A_321 : vector<16xi32>
        %gather3A_323 = tpu.vector_load_idx %arg8[%add3A_97, %add3A_322] : memref<256x128xf32, #tpu.memory_space<vmem>>[vector<16xi32>, vector<16xi32>], vector<16xf32>,
        %add3A_324 = arith.constant 17 : i32
        %add3A_325 = vector.broadcast %add3A_324 : i32 to vector<16xi32>
        %add3A_326 = arith.addi %mul3A_93, %add3A_325 : vector<16xi32>
        %gather3A_327 = tpu.vector_load_idx %arg8[%add3A_97, %add3A_326] : memref<256x128xf32, #tpu.memory_space<vmem>>[vector<16xi32>, vector<16xi32>], vector<16xf32>,
        %add3A_328 = arith.constant 18 : i32
        %add3A_329 = vector.broadcast %add3A_328 : i32 to vector<16xi32>
        %add3A_330 = arith.addi %mul3A_93, %add3A_329 : vector<16xi32>
        %gather3A_331 = tpu.vector_load_idx %arg8[%add3A_97, %add3A_330] : memref<256x128xf32, #tpu.memory_space<vmem>>[vector<16xi32>, vector<16xi32>], vector<16xf32>,
        %add3A_332 = arith.constant 19 : i32
        %add3A_333 = vector.broadcast %add3A_332 : i32 to vector<16xi32>
        %add3A_334 = arith.addi %mul3A_93, %add3A_333 : vector<16xi32>
        %gather3A_335 = tpu.vector_load_idx %arg8[%add3A_97, %add3A_334] : memref<256x128xf32, #tpu.memory_space<vmem>>[vector<16xi32>, vector<16xi32>], vector<16xf32>,
        %add3A_336 = arith.constant 20 : i32
        %add3A_337 = vector.broadcast %add3A_336 : i32 to vector<16xi32>
        %add3A_338 = arith.addi %mul3A_93, %add3A_337 : vector<16xi32>
        %gather3A_339 = tpu.vector_load_idx %arg8[%add3A_97, %add3A_338] : memref<256x128xf32, #tpu.memory_space<vmem>>[vector<16xi32>, vector<16xi32>], vector<16xf32>,
        %add3A_340 = arith.constant 21 : i32
        %add3A_341 = vector.broadcast %add3A_340 : i32 to vector<16xi32>
        %add3A_342 = arith.addi %mul3A_93, %add3A_341 : vector<16xi32>
        %gather3A_343 = tpu.vector_load_idx %arg8[%add3A_97, %add3A_342] : memref<256x128xf32, #tpu.memory_space<vmem>>[vector<16xi32>, vector<16xi32>], vector<16xf32>,
        %add3A_344 = arith.constant 22 : i32
        %add3A_345 = vector.broadcast %add3A_344 : i32 to vector<16xi32>
        %add3A_346 = arith.addi %mul3A_93, %add3A_345 : vector<16xi32>
        %gather3A_347 = tpu.vector_load_idx %arg8[%add3A_97, %add3A_346] : memref<256x128xf32, #tpu.memory_space<vmem>>[vector<16xi32>, vector<16xi32>], vector<16xf32>,
        %add3A_348 = arith.constant 23 : i32
        %add3A_349 = vector.broadcast %add3A_348 : i32 to vector<16xi32>
        %add3A_350 = arith.addi %mul3A_93, %add3A_349 : vector<16xi32>
        %gather3A_351 = tpu.vector_load_idx %arg8[%add3A_97, %add3A_350] : memref<256x128xf32, #tpu.memory_space<vmem>>[vector<16xi32>, vector<16xi32>], vector<16xf32>,
        %add3A_352 = arith.constant 24 : i32
        %add3A_353 = vector.broadcast %add3A_352 : i32 to vector<16xi32>
        %add3A_354 = arith.addi %mul3A_93, %add3A_353 : vector<16xi32>
        %gather3A_355 = tpu.vector_load_idx %arg8[%add3A_97, %add3A_354] : memref<256x128xf32, #tpu.memory_space<vmem>>[vector<16xi32>, vector<16xi32>], vector<16xf32>,
        %add3A_356 = arith.constant 25 : i32
        %add3A_357 = vector.broadcast %add3A_356 : i32 to vector<16xi32>
        %add3A_358 = arith.addi %mul3A_93, %add3A_357 : vector<16xi32>
        %gather3A_359 = tpu.vector_load_idx %arg8[%add3A_97, %add3A_358] : memref<256x128xf32, #tpu.memory_space<vmem>>[vector<16xi32>, vector<16xi32>], vector<16xf32>,
        %add3A_360 = arith.constant 26 : i32
        %add3A_361 = vector.broadcast %add3A_360 : i32 to vector<16xi32>
        %add3A_362 = arith.addi %mul3A_93, %add3A_361 : vector<16xi32>
        %gather3A_363 = tpu.vector_load_idx %arg8[%add3A_97, %add3A_362] : memref<256x128xf32, #tpu.memory_space<vmem>>[vector<16xi32>, vector<16xi32>], vector<16xf32>,
        %add3A_364 = arith.constant 27 : i32
        %add3A_365 = vector.broadcast %add3A_364 : i32 to vector<16xi32>
        %add3A_366 = arith.addi %mul3A_93, %add3A_365 : vector<16xi32>
        %gather3A_367 = tpu.vector_load_idx %arg8[%add3A_97, %add3A_366] : memref<256x128xf32, #tpu.memory_space<vmem>>[vector<16xi32>, vector<16xi32>], vector<16xf32>,
        %add3A_368 = arith.constant 28 : i32
        %add3A_369 = vector.broadcast %add3A_368 : i32 to vector<16xi32>
        %add3A_370 = arith.addi %mul3A_93, %add3A_369 : vector<16xi32>
        %gather3A_371 = tpu.vector_load_idx %arg8[%add3A_97, %add3A_370] : memref<256x128xf32, #tpu.memory_space<vmem>>[vector<16xi32>, vector<16xi32>], vector<16xf32>,
        %add3A_372 = arith.constant 29 : i32
        %add3A_373 = vector.broadcast %add3A_372 : i32 to vector<16xi32>
        %add3A_374 = arith.addi %mul3A_93, %add3A_373 : vector<16xi32>
        %gather3A_375 = tpu.vector_load_idx %arg8[%add3A_97, %add3A_374] : memref<256x128xf32, #tpu.memory_space<vmem>>[vector<16xi32>, vector<16xi32>], vector<16xf32>,
        %add3A_376 = arith.constant 30 : i32
        %add3A_377 = vector.broadcast %add3A_376 : i32 to vector<16xi32>
        %add3A_378 = arith.addi %mul3A_93, %add3A_377 : vector<16xi32>
        %gather3A_379 = tpu.vector_load_idx %arg8[%add3A_97, %add3A_378] : memref<256x128xf32, #tpu.memory_space<vmem>>[vector<16xi32>, vector<16xi32>], vector<16xf32>,
        %add3A_380 = arith.constant 31 : i32
        %add3A_381 = vector.broadcast %add3A_380 : i32 to vector<16xi32>
        %add3A_382 = arith.addi %mul3A_93, %add3A_381 : vector<16xi32>
        %gather3A_383 = tpu.vector_load_idx %arg8[%add3A_97, %add3A_382] : memref<256x128xf32, #tpu.memory_space<vmem>>[vector<16xi32>, vector<16xi32>], vector<16xf32>,
        %mul3A_384 = arith.constant 16 : i32
        %mul3A_385 = arith.muli %scan3A_82, %mul3A_384 : i32
        %add3A_386 = arith.constant 256 : i32
        %add3A_387 = arith.addi %add3A_386, %mul3A_385 : i32
        %swap3A_388 = arith.constant 0 : i32
        %swap3A_389 = arith.constant 16 : i32
        %swap3A_390 = arith.index_cast %swap3A_388 : i32 to index
        %swap3A_391 = arith.index_cast %swap3A_389 : i32 to index
        %swap3A_392 = arith.index_cast %add3A_387 : i32 to index
        %swap3A_393 = tpu.vector_load %arg9[%swap3A_390, %swap3A_391, %swap3A_392] {strides = array<i32>} : memref<1x32x512xf32, #tpu.memory_space<vmem>>, vector<16xf32>,
        tpu.vector_store %arg9[%swap3A_390, %swap3A_391, %swap3A_392], %gather3A_323 {strides = array<i32>} : memref<1x32x512xf32, #tpu.memory_space<vmem>>, vector<16xf32>,
        %mul3A_394 = arith.constant 16 : i32
        %mul3A_395 = arith.muli %scan3A_82, %mul3A_394 : i32
        %add3A_396 = arith.constant 256 : i32
        %add3A_397 = arith.addi %add3A_396, %mul3A_395 : i32
        %swap3A_398 = arith.constant 0 : i32
        %swap3A_399 = arith.constant 17 : i32
        %swap3A_400 = arith.index_cast %swap3A_398 : i32 to index
        %swap3A_401 = arith.index_cast %swap3A_399 : i32 to index
        %swap3A_402 = arith.index_cast %add3A_397 : i32 to index
        %swap3A_403 = tpu.vector_load %arg9[%swap3A_400, %swap3A_401, %swap3A_402] {strides = array<i32>} : memref<1x32x512xf32, #tpu.memory_space<vmem>>, vector<16xf32>,
        tpu.vector_store %arg9[%swap3A_400, %swap3A_401, %swap3A_402], %gather3A_327 {strides = array<i32>} : memref<1x32x512xf32, #tpu.memory_space<vmem>>, vector<16xf32>,
        %mul3A_404 = arith.constant 16 : i32
        %mul3A_405 = arith.muli %scan3A_82, %mul3A_404 : i32
        %add3A_406 = arith.constant 256 : i32
        %add3A_407 = arith.addi %add3A_406, %mul3A_405 : i32
        %swap3A_408 = arith.constant 0 : i32
        %swap3A_409 = arith.constant 18 : i32
        %swap3A_410 = arith.index_cast %swap3A_408 : i32 to index
        %swap3A_411 = arith.index_cast %swap3A_409 : i32 to index
        %swap3A_412 = arith.index_cast %add3A_407 : i32 to index
        %swap3A_413 = tpu.vector_load %arg9[%swap3A_410, %swap3A_411, %swap3A_412] {strides = array<i32>} : memref<1x32x512xf32, #tpu.memory_space<vmem>>, vector<16xf32>,
        tpu.vector_store %arg9[%swap3A_410, %swap3A_411, %swap3A_412], %gather3A_331 {strides = array<i32>} : memref<1x32x512xf32, #tpu.memory_space<vmem>>, vector<16xf32>,
        %mul3A_414 = arith.constant 16 : i32
        %mul3A_415 = arith.muli %scan3A_82, %mul3A_414 : i32
        %add3A_416 = arith.constant 256 : i32
        %add3A_417 = arith.addi %add3A_416, %mul3A_415 : i32
        %swap3A_418 = arith.constant 0 : i32
        %swap3A_419 = arith.constant 19 : i32
        %swap3A_420 = arith.index_cast %swap3A_418 : i32 to index
        %swap3A_421 = arith.index_cast %swap3A_419 : i32 to index
        %swap3A_422 = arith.index_cast %add3A_417 : i32 to index
        %swap3A_423 = tpu.vector_load %arg9[%swap3A_420, %swap3A_421, %swap3A_422] {strides = array<i32>} : memref<1x32x512xf32, #tpu.memory_space<vmem>>, vector<16xf32>,
        tpu.vector_store %arg9[%swap3A_420, %swap3A_421, %swap3A_422], %gather3A_335 {strides = array<i32>} : memref<1x32x512xf32, #tpu.memory_space<vmem>>, vector<16xf32>,
        %mul3A_424 = arith.constant 16 : i32
        %mul3A_425 = arith.muli %scan3A_82, %mul3A_424 : i32
        %add3A_426 = arith.constant 256 : i32
        %add3A_427 = arith.addi %add3A_426, %mul3A_425 : i32
        %swap3A_428 = arith.constant 0 : i32
        %swap3A_429 = arith.constant 20 : i32
        %swap3A_430 = arith.index_cast %swap3A_428 : i32 to index
        %swap3A_431 = arith.index_cast %swap3A_429 : i32 to index
        %swap3A_432 = arith.index_cast %add3A_427 : i32 to index
        %swap3A_433 = tpu.vector_load %arg9[%swap3A_430, %swap3A_431, %swap3A_432] {strides = array<i32>} : memref<1x32x512xf32, #tpu.memory_space<vmem>>, vector<16xf32>,
        tpu.vector_store %arg9[%swap3A_430, %swap3A_431, %swap3A_432], %gather3A_339 {strides = array<i32>} : memref<1x32x512xf32, #tpu.memory_space<vmem>>, vector<16xf32>,
        %mul3A_434 = arith.constant 16 : i32
        %mul3A_435 = arith.muli %scan3A_82, %mul3A_434 : i32
        %add3A_436 = arith.constant 256 : i32
        %add3A_437 = arith.addi %add3A_436, %mul3A_435 : i32
        %swap3A_438 = arith.constant 0 : i32
        %swap3A_439 = arith.constant 21 : i32
        %swap3A_440 = arith.index_cast %swap3A_438 : i32 to index
        %swap3A_441 = arith.index_cast %swap3A_439 : i32 to index
        %swap3A_442 = arith.index_cast %add3A_437 : i32 to index
        %swap3A_443 = tpu.vector_load %arg9[%swap3A_440, %swap3A_441, %swap3A_442] {strides = array<i32>} : memref<1x32x512xf32, #tpu.memory_space<vmem>>, vector<16xf32>,
        tpu.vector_store %arg9[%swap3A_440, %swap3A_441, %swap3A_442], %gather3A_343 {strides = array<i32>} : memref<1x32x512xf32, #tpu.memory_space<vmem>>, vector<16xf32>,
        %mul3A_444 = arith.constant 16 : i32
        %mul3A_445 = arith.muli %scan3A_82, %mul3A_444 : i32
        %add3A_446 = arith.constant 256 : i32
        %add3A_447 = arith.addi %add3A_446, %mul3A_445 : i32
        %swap3A_448 = arith.constant 0 : i32
        %swap3A_449 = arith.constant 22 : i32
        %swap3A_450 = arith.index_cast %swap3A_448 : i32 to index
        %swap3A_451 = arith.index_cast %swap3A_449 : i32 to index
        %swap3A_452 = arith.index_cast %add3A_447 : i32 to index
        %swap3A_453 = tpu.vector_load %arg9[%swap3A_450, %swap3A_451, %swap3A_452] {strides = array<i32>} : memref<1x32x512xf32, #tpu.memory_space<vmem>>, vector<16xf32>,
        tpu.vector_store %arg9[%swap3A_450, %swap3A_451, %swap3A_452], %gather3A_347 {strides = array<i32>} : memref<1x32x512xf32, #tpu.memory_space<vmem>>, vector<16xf32>,
        %mul3A_454 = arith.constant 16 : i32
        %mul3A_455 = arith.muli %scan3A_82, %mul3A_454 : i32
        %add3A_456 = arith.constant 256 : i32
        %add3A_457 = arith.addi %add3A_456, %mul3A_455 : i32
        %swap3A_458 = arith.constant 0 : i32
        %swap3A_459 = arith.constant 23 : i32
        %swap3A_460 = arith.index_cast %swap3A_458 : i32 to index
        %swap3A_461 = arith.index_cast %swap3A_459 : i32 to index
        %swap3A_462 = arith.index_cast %add3A_457 : i32 to index
        %swap3A_463 = tpu.vector_load %arg9[%swap3A_460, %swap3A_461, %swap3A_462] {strides = array<i32>} : memref<1x32x512xf32, #tpu.memory_space<vmem>>, vector<16xf32>,
        tpu.vector_store %arg9[%swap3A_460, %swap3A_461, %swap3A_462], %gather3A_351 {strides = array<i32>} : memref<1x32x512xf32, #tpu.memory_space<vmem>>, vector<16xf32>,
        %mul3A_464 = arith.constant 16 : i32
        %mul3A_465 = arith.muli %scan3A_82, %mul3A_464 : i32
        %add3A_466 = arith.constant 256 : i32
        %add3A_467 = arith.addi %add3A_466, %mul3A_465 : i32
        %swap3A_468 = arith.constant 0 : i32
        %swap3A_469 = arith.constant 24 : i32
        %swap3A_470 = arith.index_cast %swap3A_468 : i32 to index
        %swap3A_471 = arith.index_cast %swap3A_469 : i32 to index
        %swap3A_472 = arith.index_cast %add3A_467 : i32 to index
        %swap3A_473 = tpu.vector_load %arg9[%swap3A_470, %swap3A_471, %swap3A_472] {strides = array<i32>} : memref<1x32x512xf32, #tpu.memory_space<vmem>>, vector<16xf32>,
        tpu.vector_store %arg9[%swap3A_470, %swap3A_471, %swap3A_472], %gather3A_355 {strides = array<i32>} : memref<1x32x512xf32, #tpu.memory_space<vmem>>, vector<16xf32>,
        %mul3A_474 = arith.constant 16 : i32
        %mul3A_475 = arith.muli %scan3A_82, %mul3A_474 : i32
        %add3A_476 = arith.constant 256 : i32
        %add3A_477 = arith.addi %add3A_476, %mul3A_475 : i32
        %swap3A_478 = arith.constant 0 : i32
        %swap3A_479 = arith.constant 25 : i32
        %swap3A_480 = arith.index_cast %swap3A_478 : i32 to index
        %swap3A_481 = arith.index_cast %swap3A_479 : i32 to index
        %swap3A_482 = arith.index_cast %add3A_477 : i32 to index
        %swap3A_483 = tpu.vector_load %arg9[%swap3A_480, %swap3A_481, %swap3A_482] {strides = array<i32>} : memref<1x32x512xf32, #tpu.memory_space<vmem>>, vector<16xf32>,
        tpu.vector_store %arg9[%swap3A_480, %swap3A_481, %swap3A_482], %gather3A_359 {strides = array<i32>} : memref<1x32x512xf32, #tpu.memory_space<vmem>>, vector<16xf32>,
        %mul3A_484 = arith.constant 16 : i32
        %mul3A_485 = arith.muli %scan3A_82, %mul3A_484 : i32
        %add3A_486 = arith.constant 256 : i32
        %add3A_487 = arith.addi %add3A_486, %mul3A_485 : i32
        %swap3A_488 = arith.constant 0 : i32
        %swap3A_489 = arith.constant 26 : i32
        %swap3A_490 = arith.index_cast %swap3A_488 : i32 to index
        %swap3A_491 = arith.index_cast %swap3A_489 : i32 to index
        %swap3A_492 = arith.index_cast %add3A_487 : i32 to index
        %swap3A_493 = tpu.vector_load %arg9[%swap3A_490, %swap3A_491, %swap3A_492] {strides = array<i32>} : memref<1x32x512xf32, #tpu.memory_space<vmem>>, vector<16xf32>,
        tpu.vector_store %arg9[%swap3A_490, %swap3A_491, %swap3A_492], %gather3A_363 {strides = array<i32>} : memref<1x32x512xf32, #tpu.memory_space<vmem>>, vector<16xf32>,
        %mul3A_494 = arith.constant 16 : i32
        %mul3A_495 = arith.muli %scan3A_82, %mul3A_494 : i32
        %add3A_496 = arith.constant 256 : i32
        %add3A_497 = arith.addi %add3A_496, %mul3A_495 : i32
        %swap3A_498 = arith.constant 0 : i32
        %swap3A_499 = arith.constant 27 : i32
        %swap3A_500 = arith.index_cast %swap3A_498 : i32 to index
        %swap3A_501 = arith.index_cast %swap3A_499 : i32 to index
        %swap3A_502 = arith.index_cast %add3A_497 : i32 to index
        %swap3A_503 = tpu.vector_load %arg9[%swap3A_500, %swap3A_501, %swap3A_502] {strides = array<i32>} : memref<1x32x512xf32, #tpu.memory_space<vmem>>, vector<16xf32>,
        tpu.vector_store %arg9[%swap3A_500, %swap3A_501, %swap3A_502], %gather3A_367 {strides = array<i32>} : memref<1x32x512xf32, #tpu.memory_space<vmem>>, vector<16xf32>,
        %mul3A_504 = arith.constant 16 : i32
        %mul3A_505 = arith.muli %scan3A_82, %mul3A_504 : i32
        %add3A_506 = arith.constant 256 : i32
        %add3A_507 = arith.addi %add3A_506, %mul3A_505 : i32
        %swap3A_508 = arith.constant 0 : i32
        %swap3A_509 = arith.constant 28 : i32
        %swap3A_510 = arith.index_cast %swap3A_508 : i32 to index
        %swap3A_511 = arith.index_cast %swap3A_509 : i32 to index
        %swap3A_512 = arith.index_cast %add3A_507 : i32 to index
        %swap3A_513 = tpu.vector_load %arg9[%swap3A_510, %swap3A_511, %swap3A_512] {strides = array<i32>} : memref<1x32x512xf32, #tpu.memory_space<vmem>>, vector<16xf32>,
        tpu.vector_store %arg9[%swap3A_510, %swap3A_511, %swap3A_512], %gather3A_371 {strides = array<i32>} : memref<1x32x512xf32, #tpu.memory_space<vmem>>, vector<16xf32>,
        %mul3A_514 = arith.constant 16 : i32
        %mul3A_515 = arith.muli %scan3A_82, %mul3A_514 : i32
        %add3A_516 = arith.constant 256 : i32
        %add3A_517 = arith.addi %add3A_516, %mul3A_515 : i32
        %swap3A_518 = arith.constant 0 : i32
        %swap3A_519 = arith.constant 29 : i32
        %swap3A_520 = arith.index_cast %swap3A_518 : i32 to index
        %swap3A_521 = arith.index_cast %swap3A_519 : i32 to index
        %swap3A_522 = arith.index_cast %add3A_517 : i32 to index
        %swap3A_523 = tpu.vector_load %arg9[%swap3A_520, %swap3A_521, %swap3A_522] {strides = array<i32>} : memref<1x32x512xf32, #tpu.memory_space<vmem>>, vector<16xf32>,
        tpu.vector_store %arg9[%swap3A_520, %swap3A_521, %swap3A_522], %gather3A_375 {strides = array<i32>} : memref<1x32x512xf32, #tpu.memory_space<vmem>>, vector<16xf32>,
        %mul3A_524 = arith.constant 16 : i32
        %mul3A_525 = arith.muli %scan3A_82, %mul3A_524 : i32
        %add3A_526 = arith.constant 256 : i32
        %add3A_527 = arith.addi %add3A_526, %mul3A_525 : i32
        %swap3A_528 = arith.constant 0 : i32
        %swap3A_529 = arith.constant 30 : i32
        %swap3A_530 = arith.index_cast %swap3A_528 : i32 to index
        %swap3A_531 = arith.index_cast %swap3A_529 : i32 to index
        %swap3A_532 = arith.index_cast %add3A_527 : i32 to index
        %swap3A_533 = tpu.vector_load %arg9[%swap3A_530, %swap3A_531, %swap3A_532] {strides = array<i32>} : memref<1x32x512xf32, #tpu.memory_space<vmem>>, vector<16xf32>,
        tpu.vector_store %arg9[%swap3A_530, %swap3A_531, %swap3A_532], %gather3A_379 {strides = array<i32>} : memref<1x32x512xf32, #tpu.memory_space<vmem>>, vector<16xf32>,
        %mul3A_534 = arith.constant 16 : i32
        %mul3A_535 = arith.muli %scan3A_82, %mul3A_534 : i32
        %add3A_536 = arith.constant 256 : i32
        %add3A_537 = arith.addi %add3A_536, %mul3A_535 : i32
        %swap3A_538 = arith.constant 0 : i32
        %swap3A_539 = arith.constant 31 : i32
        %swap3A_540 = arith.index_cast %swap3A_538 : i32 to index
        %swap3A_541 = arith.index_cast %swap3A_539 : i32 to index
        %swap3A_542 = arith.index_cast %add3A_537 : i32 to index
        %swap3A_543 = tpu.vector_load %arg9[%swap3A_540, %swap3A_541, %swap3A_542] {strides = array<i32>} : memref<1x32x512xf32, #tpu.memory_space<vmem>>, vector<16xf32>,
        tpu.vector_store %arg9[%swap3A_540, %swap3A_541, %swap3A_542], %gather3A_383 {strides = array<i32>} : memref<1x32x512xf32, #tpu.memory_space<vmem>>, vector<16xf32>,
      }
      %scan3A_77 = arith.constant 16 : i32
      %dma_start3A_78 = arith.constant 0 : i32
      %dma_start3A_79 = tpu.memref_slice %arg4[%scan3A_34, %dma_start3A_78, %multiple_of3A] : memref<26x32x16384xf32, #tpu.memory_space<hbm>> -> memref<1x32x512xf32, #tpu.memory_space<hbm>>
      %dma_start3A_80 = arith.constant 0 : i32
      %dma_start3A_81 = tpu.memref_slice %arg4[%scan3A_34, %dma_start3A_80, %multiple_of3A] : memref<26x32x16384xf32, #tpu.memory_space<hbm>> -> memref<1x32x512xf32, #tpu.memory_space<hbm>>
      tpu.enqueue_dma source(%arg9 : memref<1x32x512xf32, #tpu.memory_space<vmem>>) target(%dma_start3A_81 : memref<1x32x512xf32, #tpu.memory_space<hbm>>) target_semaphore(%arg12 : memref<!tpu.dma_semaphore, #tpu.memory_space<semaphore_mem>>)
    }
    %scan3A_23 = arith.constant 26 : i32
    %dma_wait3A = arith.constant 0 : i32
    %dma_wait3A_24 = tpu.memref_slice %arg6[%dma_wait3A] : memref<13312xi32, #tpu.memory_space<vmem>> -> memref<256xi32, #tpu.memory_space<vmem>>
    %dma_wait3A_25 = arith.constant 0 : i32
    %dma_wait3A_26 = arith.constant 0 : i32
    %dma_wait3A_27 = tpu.memref_slice %arg3[%dma_wait3A_25, %dma_wait3A_26] : memref<250000x128xf32, #tpu.memory_space<hbm>> -> memref<250000x128xf32, #tpu.memory_space<hbm>>
    tpu.wait_indirect_dma semaphore(%arg10 : memref<!tpu.dma_semaphore, #tpu.memory_space<semaphore_mem>>) src(%dma_wait3A_27 : memref<250000x128xf32, #tpu.memory_space<hbm>>) dst(%arg7 : memref<256x128xf32, #tpu.memory_space<vmem>>)
    %dma_wait3A_28 = arith.constant 25 : i32
    %dma_wait3A_29 = arith.constant 0 : i32
    %dma_wait3A_30 = tpu.memref_slice %arg4[%dma_wait3A_28, %dma_wait3A_29, %multiple_of3A] : memref<26x32x16384xf32, #tpu.memory_space<hbm>> -> memref<1x32x512xf32, #tpu.memory_space<hbm>>
    %dma_wait3A_31 = arith.constant 25 : i32
    %dma_wait3A_32 = arith.constant 0 : i32
    %dma_wait3A_33 = tpu.memref_slice %arg4[%dma_wait3A_31, %dma_wait3A_32, %multiple_of3A] : memref<26x32x16384xf32, #tpu.memory_space<hbm>> -> memref<1x32x512xf32, #tpu.memory_space<hbm>>
    tpu.wait_dma2 semaphore(%arg12 : memref<!tpu.dma_semaphore, #tpu.memory_space<semaphore_mem>>) src(%arg9 : memref<1x32x512xf32, #tpu.memory_space<vmem>>) dst(%dma_wait3A_33 : memref<1x32x512xf32, #tpu.memory_space<hbm>>)
    return
  }
}

</mosaic_0001>

<sc_bundles>
// kernel: kernel.3.cloned.1.call-start
scs
__scs_entry_jumppad:
0x0: {  	(pc) =	sbr.rel $0x88, $3  }
0x1: {  	(tag) =	ssettag $0x0;
	lr =	simm.s32 $0x1  }
0x2: {  	[smem:$0x3F9F] =	sst lr;
	_ =	strace $0xD0000000  }
0x3: {  	_ = 	snop  }
0x4: {  	_ = 	snop  }
0x5: {  	_ = 	snop  }
0x6: {  	_ = 	snop  }
0x7: {  	_ = 	snop  }
__scs_overlays_trampoline_lowered:
0x8: {  	[smem:$0x3FAE] =	sst s0  }
0x9: {  	[smem:$0x3FAF] =	sst s1  }
0xa: {  	[smem:$0x3FB0] =	sst s2  }
0xb: {  	[smem:$0x3FB1] =	sst s3  }
0xc: {  	[smem:$0x3FB2] =	sst s4  }
0xd: {  	[smem:$0x3FB3] =	sst s5  }
0xe: {  	[smem:$0x3FB4] =	sst s6  }
0xf: {  	[smem:$0x3FB5] =	sst s7  }
0x10: {  	[smem:$0x3FB6] =	sst s8  }
0x11: {  	[smem:$0x3FB7] =	sst s9;
	s0 =	simm.s32 @!p0 $0x0  }
0x12: {  	s1 =	sld [smem:$0x3F9D];
	s0 =	simm.s32 @p0 $0x1  }
0x13: {  	[smem:$0x3FB8] =	sst s0;
	s0 =	simm.s32 @!p1 $0x0  }
0x14: {  	s2 =	sld [smem:$0x3F9C];
	s0 =	simm.s32 @p1 $0x1  }
0x15: {  	[smem:$0x3FB9] =	sst s0;
	s0 =	simm.s32 @!p2 $0x0  }
0x16: {  	s3 =	sld [smem:$0x3FDB];
	s0 =	simm.s32 @p2 $0x1  }
0x17: {  	s4 =	simm.s32 $0x1BF5;
	[smem:$0x3FBB] =	sst s0  }
0x18: {  	s0 =	sld [smem:$0x3F9E];
	_ =	swait.ge [sflag:s4], $0x0  }
0x19: {  	s7 =	sld [smem:$0x3F9F]  }
0x1a: {  	s8 =	sadd.s32 $0xFFFFE003, lr  }
0x1b: {  	s9 =	sadd.s32 $0xFFFFFEF7, lr;
	s5 =	simm.s32 $0xFFFFFFFF;
	p2 =	slt.u32 s8, $0xFFFFF086  }
0x1c: {  	p1 =	slt.u32 s9, $0xF7A;
	s5 =	simm.s32 @!p2 $0x0  }
0x1d: {  	s5 =	simm.s32 @p1 $0x1;
	p0 =	seq.s32 s7, s2  }
0x1e: {  	s7 =	smul.u32 @!p0 $0xF7A, s2;
	p2 =	seq.s32 @!p0 s5, $0x0  }
0x1f: {  	s9 =	smul.u32 $0xF7A, s1;
	s8 =	simm.s32 @!p0 $0x1BF5;
	p2 =	por !p2, p0  }
0x20: {  	[sflag:s8] =	ssyncset.s32 @!p0 $0xFFFFF086;
	s6 =	sadd.s32 @!p0 s3, s7;
	s7 =	simm.s32 @!p0 $0x108  }
0x21: {  	s3 =	sadd.s32 s3, s9;
	s6 =	sadd.s32 @!p0 $0x88, s6;
	s7 =	simm.s32 @p2 $0x1082  }
0x22: {  	[simem:s7], [sflag:s8] =	dma.local @!p0 [hbm:s6], $0xF7A  }
0x23: {  	s9 =	sor.u32 $0xD0000000, s2;
	s6 =	simm.s32 $0x108;
	_ =	swait.ge @!p0 [sflag:s8], $0x0  }
0x24: {  	s3 =	sadd.s32 $0x88, s3;
	s6 =	simm.s32 @!p1 $0x1082;
	[sflag:s4] =	ssyncset.s32 $0xFFFFF086  }
0x25: {  	[simem:s6], [sflag:s4] =	dma.local [hbm:s3], $0xF7A  }
0x26: {  	[smem:$0x3F9F] =	sst s1;
	(tag) =	ssettag s2;
	_ =	strace s9  }
0x27: {  	s1 =	sld [smem:$0x3FAF]  }
0x28: {  	s2 =	sld [smem:$0x3FB0]  }
0x29: {  	s4 =	sld [smem:$0x3FB2]  }
0x2a: {  	p0 =	seq.s32 s5, $0x0;
	s5 =	sld [smem:$0x3FB3]  }
0x2b: {  	s6 =	sld [smem:$0x3FB4]  }
0x2c: {  	s7 =	sld [smem:$0x3FB5]  }
0x2d: {  	s3 =	simm.s32 $0x108;
	s8 =	sld [smem:$0x3FB6]  }
0x2e: {  	s3 =	simm.s32 @!p0 $0x1082;
	s9 =	sld [smem:$0x3FB7]  }
0x2f: {  	lr =	sadd.s32 s0, s3;
	s0 =	sld [smem:$0x3FAE]  }
0x30: {  	s3 =	sld [smem:$0x3FB1]  }
0x31: {  	[smem:$0x3FBA] =	sst s10  }
0x32: {  	s10 =	sld [smem:$0x3FB8];
	_ =	sdelay $0x3  }
0x33: {  	p0 =	seq.s32 s10, $0x1;
	s10 =	sld [smem:$0x3FBA];
	_ =	sdelay $0x3  }
0x34: {  	[smem:$0x3FBA] =	sst s10  }
0x35: {  	s10 =	sld [smem:$0x3FB9];
	_ =	sdelay $0x3  }
0x36: {  	p1 =	seq.s32 s10, $0x1;
	s10 =	sld [smem:$0x3FBA];
	_ =	sdelay $0x3  }
0x37: {  	[smem:$0x3FBA] =	sst s10  }
0x38: {  	s10 =	sld [smem:$0x3FBB]  }
0x39: {  	_ = 	snop;
	(pc) =	sbr.ind lr, $3  }
0x3a: {  	_ = 	snop  }
0x3b: {  	_ = 	snop  }
0x3c: {  	p2 =	seq.s32 s10, $0x1;
	s10 =	sld [smem:$0x3FBA]  }
0x3d: {  	_ =	shalt  }
0x3e: {  	_ =	shalt  }
0x3f: {  	_ =	shalt  }
0x40: {  	_ =	shalt  }
0x41: {  	_ =	shalt  }
0x42: {  	_ =	shalt  }
0x43: {  	_ =	shalt  }
0x44: {  	_ =	shalt  }
0x45: {  	_ =	shalt  }
0x46: {  	_ =	shalt  }
0x47: {  	_ =	shalt  }
0x48: {  	_ =	shalt  }
0x49: {  	_ =	shalt  }
0x4a: {  	_ =	shalt  }
0x4b: {  	_ =	shalt  }
0x4c: {  	_ =	shalt  }
0x4d: {  	_ =	shalt  }
0x4e: {  	_ =	shalt  }
0x4f: {  	_ =	shalt  }
0x50: {  	_ =	shalt  }
0x51: {  	_ =	shalt  }
0x52: {  	_ =	shalt  }
0x53: {  	_ =	shalt  }
0x54: {  	_ =	shalt  }
0x55: {  	_ =	shalt  }
0x56: {  	_ =	shalt  }
0x57: {  	_ =	shalt  }
0x58: {  	_ =	shalt  }
0x59: {  	_ =	shalt  }
0x5a: {  	_ =	shalt  }
0x5b: {  	_ =	shalt  }
0x5c: {  	_ =	shalt  }
0x5d: {  	_ =	shalt  }
0x5e: {  	_ =	shalt  }
0x5f: {  	_ =	shalt  }
0x60: {  	_ =	shalt  }
0x61: {  	_ =	shalt  }
0x62: {  	_ =	shalt  }
0x63: {  	_ =	shalt  }
0x64: {  	_ =	shalt  }
0x65: {  	_ =	shalt  }
0x66: {  	_ =	shalt  }
0x67: {  	_ =	shalt  }
0x68: {  	_ =	shalt  }
0x69: {  	_ =	shalt  }
0x6a: {  	_ =	shalt  }
0x6b: {  	_ =	shalt  }
0x6c: {  	_ =	shalt  }
0x6d: {  	_ =	shalt  }
0x6e: {  	_ =	shalt  }
0x6f: {  	_ =	shalt  }
0x70: {  	_ =	shalt  }
0x71: {  	_ =	shalt  }
0x72: {  	_ =	shalt  }
0x73: {  	_ =	shalt  }
0x74: {  	_ =	shalt  }
0x75: {  	_ =	shalt  }
0x76: {  	_ =	shalt  }
0x77: {  	_ =	shalt  }
0x78: {  	_ =	shalt  }
0x79: {  	_ =	shalt  }
0x7a: {  	_ =	shalt  }
0x7b: {  	_ =	shalt  }
0x7c: {  	_ =	shalt  }
0x7d: {  	_ =	shalt  }
0x7e: {  	_ =	shalt  }
0x7f: {  	_ =	shalt  }
0x80: {  	_ =	shalt  }
0x81: {  	_ =	shalt  }
0x82: {  	_ =	shalt  }
0x83: {  	_ =	shalt  }
0x84: {  	_ =	shalt  }
0x85: {  	_ =	shalt  }
0x86: {  	_ =	shalt  }
0x87: {  	_ =	shalt  }
.Lfunc_end0:
.L_simem_size_0:
called_computation_lowered:
.L_overlay_start_0:
0x88: {  	s2 =	sld [smem:$0x3FD9]  }
0x89: {  	s3 =	sld [smem:$0x3FFE];
	_ =	sdelay $0x1  }
0x8a: {  	s1 =	srdreg.scid  }
0x8b: {  	s0 =	sand.u32 $0x1, s1  }
0x8c: {  	s17 =	sshll.u32 s0, $0xA;
	s2 =	sadd.s32 s3, s2  }
0x8d: {  	s2 =	sadd.s32 s2, s17  }
0x8e: {  	[smem:$0x3FC6] =	sst s2  }
0x8f: {  	_ = 	snop  }
0x90: {  	s2 =	sld [smem:$0x3FC9]  }
0x91: {  	s18 =	sld [smem:$0x3FD0];
	(tm) =	ssettm $0x1  }
0x92: {  	s4 =	sld [smem:$0x3FFB];
	_ =	sdelay $0x3  }
0x93: {  	_ =	strace s4  }
0x94: {  	s4 =	sld [smem:$0x3FFC];
	_ =	sdelay $0x3  }
0x95: {  	_ =	strace s4  }
0x96: {  	s4 =	sld [smem:$0x3FFD];
	_ =	sdelay $0x3  }
0x97: {  	_ =	strace s4  }
0x98: {  	_ =	strace $0x8FFFFFFF  }
0x99: {  	s19 =	sld [smem:$0x3FDB];
	_ =	sdelay $0x1  }
0x9a: {  	s5 =	simm.s32 $_scs_section_size  }
0x9b: {  	s6 =	simm.s32 $_size__tile_overlayer_lowered;
	s7 =	simm.s32 $_tile_overlayer_lowered  }
0x9c: {  	s22 =	simm.s32 $0x1BFF;
	s21 =	sshll.u32 s7, $0x1;
	s4 =	sadd.s32 s5, s19  }
0x9d: {  	s8 =	simm.s32 $0x0;
	s20 =	sshll.u32 s6, $0x1;
	s6 =	sadd.s32 s21, s4  }
0x9e: {  	[timem:s8], [sflag:s22] =	dma.local [hbm:s6], s20  }
0x9f: {  	_ =	swait.ge [sflag:s22], s20  }
0xa0: {  	s5 =	ssub.s32 $0x0, s20;
	[sflag:s22] =	ssyncset.done $0x0  }
0xa1: {  	[sflag:s22] =	ssyncadd.s32 s5;
	_ =	sdelay $0x1  }
0xa2: {  	s23 =	simm.s32 $0x1B8B  }
0xa3: {  	_ =	swait.ge [sflag:s23], $0x1  }
0xa4: {  	[sflag:s23] =	ssyncset.done $0x0  }
0xa5: {  	s25 =	simm.s32 $0x1B8E;
	s24 =	sld [smem:$0x3FFE];
	[sflag:s23] =	ssyncadd.s32 $0xFFFFFFFF  }
0xa6: {  	s26 =	simm.s32 $execute0_lowered;
	[smem:$0x3FD2] =	sst s25  }
0xa7: {  	s6 =	sshll.u32 s26, $0x1;
	_ =	strace $0x80000046;
	[dreg:$0x1] =	wrdreg $0xFFFFFFFF  }
0xa8: {  	s28 =	simm.s32 $_size_execute0_lowered;
	s4 =	sadd.s32 s4, s6;
	[dreg:$0x0] =	wrdreg $0x0  }
0xa9: {  	s6 =	sshll.u32 s28, $0x1;
	[dreg:$0x2] =	wrdreg s4  }
0xaa: {  	[dreg:$0x3] =	wrdreg s6  }
0xab: {  	[dreg:$0x4] =	wrdreg $0xC0  }
0xac: {  	_ =	task [dreg:s8], $0x5FFFF  }
0xad: {  	[dreg:$0x1] =	wrdreg $0xFFFFFFFF  }
0xae: {  	[dreg:$0x0] =	wrdreg $0x60  }
0xaf: {  	[dreg:$0x2] =	wrdreg s2  }
0xb0: {  	[dreg:$0x3] =	wrdreg s24  }
0xb1: {  	[dreg:$0x4] =	wrdreg s18  }
0xb2: {  	[dreg:$0x5] =	wrdreg $0x9  }
0xb3: {  	_ =	task.clear_ibuf [dreg:s8], $0x6FFFF;
	_ =	strace $0x90000046  }
0xb4: {  	s29 =	simm.s32 $0x9;
	_ =	strace $0x80000048  }
0xb5: {  	_ =	swait.ge [sflag:s29], $0x1  }
0xb6: {  	[sflag:s29] =	ssyncadd.s32 $0xFFFFFFFF  }
0xb7: {  	_ =	strace $0x90000048  }
0xb8: {  	_ =	sfence  }
0xb9: {  	s30 =	sld [smem:$0x0];
	_ =	sdelay $0x2  }
0xba: {  	s31 =	sshll.u32 s1, $0xD;
	s1 =	sshrl.u32 s1, $0x2  }
0xbb: {  	s3 =	sand.u32 $0x4000, s31;
	s1 =	sadd.s32 s1, s30  }
0xbc: {  	s0 =	sor.u32 s3, s0;
	s1 =	sshll.u32 s1, $0x11  }
0xbd: {  	s0 =	sor.u32 s1, s0  }
0xbe: {  	s0 =	sadd.s32 $0x8F2B, s0  }
0xbf: {  	[sflag:s0] =	ssyncadd.remote.s32 $0x1  }
0xc0: {  	_ =	sfence.sel $0xFFFF  }
0xc1: {  	[dreg:$0x0] =	wrdreg $0xFFFFFFFF;
	(pc) =	sbr.abs _section_cstart, $3  }
0xc2: {  	[dreg:$0x1] =	wrdreg $0xFFFFFFFF  }
0xc3: {  	_ =	task.clear_ibuf [dreg:s8], $0x2FFFF;
	_ =	strace $0x9FFFFFFF  }
0xc4: {  	(tm) =	ssettm $0x7FFFFFFF  }
0xc5: {  	_ =	shalt  }
tec
execute0_lowered:
.L_overlay_start_1:
0x0: {  	(tag) =	ssettag $0x1  }
0x1: {  	s6 =	rddreg [dreg:$0x0]  }
0x2: {  	s5 =	rddreg [dreg:$0x1]  }
0x3: {  	s1 =	rddreg [dreg:$0x2]  }
0x4: {  	s0 =	rddreg [dreg:$0x3];
	s3 =	simm.s32 $0x0;
	s4 =	srdreg.scid  }
0x5: {  	s2 =	stileid.u32;
	s10 =	simm.s32 $0x20000;
	s11 =	simm.s32 $0x4  }
0x6: {  	s12 =	simm.s32 $0x100;
	s13 =	simm.s32 $0x4000;
	s14 =	simm.s32 $0x7400  }
0x7: {  	s15 =	simm.s32 $0x17400;
	s16 =	simm.s32 $0xF400;
	s17 =	simm.s32 $0x1  }
0x8: {  	s18 =	simm.s32 $0x3;
	s19 =	simm.s32 $0x2;
	s20 =	simm.s32 $0x0  }
0x9: {  	[smem:$0x7FF] =	sst s3;
	s4 =	sand.u32 $0x1, s4;
	s8 =	sshll.u32 s2, $0xD  }
0xa: {  	s5 =	sadd.s32 $0xF42800, s5;
	s7 =	ssub.s32 $0x2, s4;
	s4 =	sshll.u32 s4, $0xC  }
0xb: {  	_ =	strace $0x80000047;
	s9 =	sshrl.u32 s7, $0x1;
	s4 =	sor.u32 s4, s8  }
0xc: {  	v0 =	vlaneseq.u32;
	s30 =	ssub.s32 s7, s9;
	s31 =	sshrl.u32 s4, $0x3;
	s9 =	simm.s32 $0x1000  }
0xd: {  	v0 =	vmul.u32 $0x80, v0;
	s6 =	sadd.s32 s6, s31;
	s7 =	sadd.s32 s1, s31;
	s8 =	smax.u32 s30, $0x1  }
.LBB2_1:
0xe: {  	[tilespmem:s3], [sflag:$0x4] =	stream.strided.gather [hbm4b:s6+s9], $0x4000, s10, s9, $0x38;
	[tilespmem:$0x1B400] =	vst v63  }
0xf: {  	s22 =	simm.s32 $0x0  }
0x10: {  	s21 =	simm.s32 $0x0;
	s24 =	sand.u32 $0xC00, s3;
	s23 =	sand.u32 $0x3000, s22  }
0x11: {  	_ =	swait.ge [sflag:s11], $0x4000;
	s21 =	sand.u32 $0x380, s21;
	s23 =	sor.u32 s24, s23  }
0x12: {  	s31 =	sand.u32 $0x70, s3;
	[sflag:s11] =	ssyncset.done $0x0;
	s21 =	sor.u32 s21, s23  }
0x13: {  	[sflag:s11] =	ssyncadd.s32 $0xFFFFC000;
	s23 =	sor.u32 s31, s21  }
0x14: {  	s28 =	simm.s32 $0x4;
	s25 =	simm.s32 $0x2;
	s26 =	sand.u32 $0x1F0, s3;
	v1 =	vld [tilespmem:s23+$0x0]  }
0x15: {  	s24 =	simm.s32 $0x80;
	s21 =	simm.s32 $0x10;
	s23 =	simm.s32 $0x10  }
.LBB2_2:
0x16: {  	p0 =	sne.s32 s25, $0x33F  }
0x17: {  	s29 =	sand.u32 $0x3000, s23;
	s30 =	sand.u32 $0xC00, s24;
	s28 =	sand.u32 $0x380, s28  }
0x18: {  	s22 =	sand.u32 $0x3FFFFE00, s22;
	s29 =	sor.u32 s30, s29;
	s30 =	sand.u32 $0x70, s21  }
.Ltmp0:
0x19: {  	s22 =	sor.u32 s26, s22;
	s28 =	sor.u32 s28, s29;
	v1 =	vshra.s32 v1, $0x2;
	(pc) =	sbr.rel @p0 .LBB2_2-.Ltmp0, $4  }
0x1a: {  	s29 =	smov.u32 s21;
	s26 =	sor.u32 s30, s28;
	[tilespmem:s22+$0x4000] =	vst v1;
	s22 =	smov.u32 s23  }
0x1b: {  	v1 =	vld [tilespmem:s26+$0x0]  }
0x1c: {  	s24 =	sadd.s32 $0x80, s24;
	s21 =	sadd.s32 $0x10, s21;
	s28 =	sshll.u32 s25, $0x2  }
0x1d: {  	s23 =	sshll.u32 s25, $0x4;
	s25 =	sadd.s32 $0x1, s25;
	s26 =	sand.u32 $0x1F0, s29  }
0x1e: {  	s25 =	sand.u32 $0x3000, s23;
	s24 =	sand.u32 $0xC00, s24  }
0x1f: {  	s28 =	sand.u32 $0x380, s28;
	s22 =	sand.u32 $0x3FFFFE00, s22;
	s24 =	sor.u32 s24, s25  }
0x20: {  	s29 =	sand.u32 $0x70, s21;
	s22 =	sor.u32 s26, s22;
	s24 =	sor.u32 s28, s24;
	v1 =	vshra.s32 v1, $0x2  }
0x21: {  	s24 =	sor.u32 s29, s24;
	[tilespmem:s22+$0x4000] =	vst v1  }
0x22: {  	v1 =	vld [tilespmem:s24+$0x0];
	_ =	sdelay $0x3  }
0x23: {  	s30 =	sand.u32 $0x1F0, s21;
	s31 =	sand.u32 $0x3FFFFE00, s23  }
0x24: {  	s21 =	sor.u32 s30, s31;
	v1 =	vshra.s32 v1, $0x2  }
0x25: {  	[tilespmem:s21+$0x4000] =	vst v1  }
0x26: {  	[tilespmem:s14], [sflag:$0x1] =	stream.indirect.gather [hbm4b:s5+s12], $0x80, s13, s12, $0xb8;
	[tilespmem:$0x1B400] =	vst v63  }
0x27: {  	s21 =	simm.s32 $0x0  }
0x28: {  	[hbm4b:s7+s9] =	stream.strided.scatter [tilespmem:s15], [sflag:$0x3], $0x4000, s10, s9, $0x38;
	[tilespmem:$0x1B400] =	vst v63  }
.LBB2_4:
0x29: {  	s22 =	sshll.u32 s21, $0x9  }
0x2a: {  	s23 =	sand.u32 $0x3FFFFE00, s22  }
0x2b: {  	s23 =	sadd.s32 $0x4100, s23  }
0x2c: {  	[tilespmem:s16], [sflag:$0x2] =	stream.indirect.gather [hbm4b:s5+s12], $0x80, s23, s12, $0xb8;
	[tilespmem:$0x1B400] =	vst v63  }
0x2d: {  	_ =	swait.ge [sflag:s17], $0x8000  }
0x2e: {  	[sflag:s17] =	ssyncset.done $0x0  }
0x2f: {  	[sflag:s17] =	ssyncadd.s32 $0xFFFF8000  }
0x30: {  	s31 =	sshll.u32 s21, $0x7;
	s24 =	simm.s32 $0x0;
	_ =	swait.ge [sflag:s18], $0x4000  }
0x31: {  	s22 =	sand.u32 $0x3000, s22;
	s23 =	sand.u32 $0x380, s31;
	[sflag:s18] =	ssyncset.done $0x0  }
0x32: {  	s22 =	sor.u32 s23, s22;
	s23 =	simm.s32 $0x0;
	[sflag:s18] =	ssyncadd.s32 $0xFFFFC000  }
.LBB2_5:
0x33: {  	s25 =	sand.u32 $0x400, s23  }
0x34: {  	s26 =	sand.u32 $0x70, s24;
	s28 =	sadd.s32 s25, s22  }
0x35: {  	s28 =	sadd.s32 s26, s28  }
0x36: {  	v1 =	vld [tilespmem:s28+$0x0];
	_ =	sdelay $0x3  }
0x37: {  	v2 =	vmov s24  }
0x38: {  	v2 =	vshll.u32 v2, $0x7;
	v1 =	vshll.u32 v1, $0x5  }
0x39: {  	v2 =	vor.u32 v0, v2;
	v1 =	vand.u32 $0x60, v1  }
0x3a: {  	v1 =	vor.u32 v2, v1  }
0x3b: {  	v2 =	vor.u32 $0x1, v1  }
0x3c: {  	v3 =	vor.u32 $0x2, v1  }
0x3d: {  	v4 =	vor.u32 $0x3, v1  }
0x3e: {  	v5 =	vor.u32 $0x4, v1  }
0x3f: {  	v7 =	vor.u32 $0x5, v1;
	v6 =	vld.idx.msk [tilespmem:v1+s14+$0x0], $0xffff  }
0x40: {  	v8 =	vor.u32 $0x6, v1;
	v2 =	vld.idx.msk [tilespmem:v2+s14+$0x0], $0xffff  }
0x41: {  	v9 =	vor.u32 $0x7, v1;
	v3 =	vld.idx.msk [tilespmem:v3+s14+$0x0], $0xffff  }
0x42: {  	v10 =	vor.u32 $0x8, v1;
	v4 =	vld.idx.msk [tilespmem:v4+s14+$0x0], $0xffff  }
0x43: {  	v11 =	vor.u32 $0x9, v1;
	v5 =	vld.idx.msk [tilespmem:v5+s14+$0x0], $0xffff  }
0x44: {  	v12 =	vor.u32 $0xA, v1;
	v7 =	vld.idx.msk [tilespmem:v7+s14+$0x0], $0xffff  }
0x45: {  	v13 =	vor.u32 $0xB, v1;
	v8 =	vld.idx.msk [tilespmem:v8+s14+$0x0], $0xffff  }
0x46: {  	v14 =	vor.u32 $0xC, v1;
	v9 =	vld.idx.msk [tilespmem:v9+s14+$0x0], $0xffff  }
0x47: {  	v15 =	vor.u32 $0xD, v1;
	v10 =	vld.idx.msk [tilespmem:v10+s14+$0x0], $0xffff  }
0x48: {  	v16 =	vor.u32 $0xE, v1;
	v11 =	vld.idx.msk [tilespmem:v11+s14+$0x0], $0xffff  }
0x49: {  	v17 =	vor.u32 $0xF, v1;
	v12 =	vld.idx.msk [tilespmem:v12+s14+$0x0], $0xffff  }
0x4a: {  	v13 =	vld.idx.msk [tilespmem:v13+s14+$0x0], $0xffff  }
0x4b: {  	v14 =	vld.idx.msk [tilespmem:v14+s14+$0x0], $0xffff  }
0x4c: {  	v15 =	vld.idx.msk [tilespmem:v15+s14+$0x0], $0xffff  }
0x4d: {  	s25 =	sor.u32 s26, s25;
	v16 =	vld.idx.msk [tilespmem:v16+s14+$0x0], $0xffff  }
0x4e: {  	s26 =	sadd.s32 $0x17400, s25;
	v17 =	vld.idx.msk [tilespmem:v17+s14+$0x0], $0xffff;
	[tilespmem:s25+$0x17400] =	vst v6  }
0x4f: {  	[tilespmem:s26+$0x80] =	vst v2  }
0x50: {  	[tilespmem:s26+$0x100] =	vst v3  }
0x51: {  	[tilespmem:s26+$0x180] =	vst v4  }
0x52: {  	[tilespmem:s26+$0x200] =	vst v5  }
0x53: {  	s30 =	sor.u32 s23, s24;
	[tilespmem:s26+$0x280] =	vst v7  }
0x54: {  	s31 =	sor.u32 $0x380, s30;
	[tilespmem:s26+$0x300] =	vst v8  }
0x55: {  	[tilespmem:s31+$0x17400] =	vst v9  }
0x56: {  	[tilespmem:s25+$0x18400] =	vst v10  }
0x57: {  	[tilespmem:s25+$0x18480] =	vst v11  }
0x58: {  	[tilespmem:s25+$0x18500] =	vst v12  }
0x59: {  	v51 =	vor.u32 $0x12, v1;
	[tilespmem:s25+$0x18580] =	vst v13  }
0x5a: {  	v52 =	vor.u32 $0x13, v1;
	[tilespmem:s25+$0x18600] =	vst v14  }
0x5b: {  	v53 =	vor.u32 $0x14, v1;
	[tilespmem:s25+$0x18680] =	vst v15  }
0x5c: {  	v54 =	vor.u32 $0x15, v1;
	[tilespmem:s25+$0x18700] =	vst v16  }
0x5d: {  	v55 =	vor.u32 $0x16, v1;
	[tilespmem:s25+$0x18780] =	vst v17  }
0x5e: {  	v56 =	vor.u32 $0x17, v1;
	v4 =	vld.idx.msk [tilespmem:v51+s14+$0x0], $0xffff  }
0x5f: {  	v57 =	vor.u32 $0x18, v1;
	v5 =	vld.idx.msk [tilespmem:v52+s14+$0x0], $0xffff  }
0x60: {  	v58 =	vor.u32 $0x19, v1;
	v6 =	vld.idx.msk [tilespmem:v53+s14+$0x0], $0xffff  }
0x61: {  	v59 =	vor.u32 $0x1A, v1;
	v7 =	vld.idx.msk [tilespmem:v54+s14+$0x0], $0xffff  }
0x62: {  	v60 =	vor.u32 $0x1B, v1;
	v8 =	vld.idx.msk [tilespmem:v55+s14+$0x0], $0xffff  }
0x63: {  	v61 =	vor.u32 $0x1C, v1;
	v9 =	vld.idx.msk [tilespmem:v56+s14+$0x0], $0xffff  }
0x64: {  	v62 =	vor.u32 $0x1D, v1;
	v10 =	vld.idx.msk [tilespmem:v57+s14+$0x0], $0xffff  }
0x65: {  	v63 =	vor.u32 $0x1E, v1;
	v11 =	vld.idx.msk [tilespmem:v58+s14+$0x0], $0xffff  }
0x66: {  	v2 =	vor.u32 $0x10, v1;
	v12 =	vld.idx.msk [tilespmem:v59+s14+$0x0], $0xffff  }
0x67: {  	v3 =	vor.u32 $0x11, v1;
	v13 =	vld.idx.msk [tilespmem:v60+s14+$0x0], $0xffff  }
0x68: {  	v1 =	vor.u32 $0x1F, v1;
	v14 =	vld.idx.msk [tilespmem:v61+s14+$0x0], $0xffff  }
0x69: {  	v15 =	vld.idx.msk [tilespmem:v62+s14+$0x0], $0xffff  }
0x6a: {  	v16 =	vld.idx.msk [tilespmem:v63+s14+$0x0], $0xffff  }
0x6b: {  	v2 =	vld.idx.msk [tilespmem:v2+s14+$0x0], $0xffff  }
0x6c: {  	v3 =	vld.idx.msk [tilespmem:v3+s14+$0x0], $0xffff  }
0x6d: {  	v1 =	vld.idx.msk [tilespmem:v1+s14+$0x0], $0xffff;
	[tilespmem:s25+$0x19500] =	vst v4  }
0x6e: {  	[tilespmem:s25+$0x19580] =	vst v5  }
0x6f: {  	[tilespmem:s25+$0x19600] =	vst v6  }
0x70: {  	[tilespmem:s25+$0x19680] =	vst v7  }
0x71: {  	[tilespmem:s25+$0x19700] =	vst v8  }
0x72: {  	[tilespmem:s25+$0x19780] =	vst v9  }
0x73: {  	[tilespmem:s25+$0x1A400] =	vst v10  }
0x74: {  	[tilespmem:s25+$0x1A480] =	vst v11  }
0x75: {  	[tilespmem:s25+$0x1A500] =	vst v12  }
0x76: {  	[tilespmem:s25+$0x1A580] =	vst v13  }
0x77: {  	p0 =	sne.s32 s24, $0xF0;
	[tilespmem:s25+$0x1A600] =	vst v14  }
.Ltmp1:
0x78: {  	[tilespmem:s25+$0x1A680] =	vst v15;
	(pc) =	sbr.rel @p0 .LBB2_5-.Ltmp1, $4  }
0x79: {  	[tilespmem:s25+$0x1A700] =	vst v16  }
0x7a: {  	[tilespmem:s25+$0x19400] =	vst v2  }
0x7b: {  	[tilespmem:s25+$0x19480] =	vst v3  }
0x7c: {  	s23 =	sadd.s32 $0x80, s23;
	s24 =	sadd.s32 $0x10, s24;
	[tilespmem:s25+$0x1A780] =	vst v1  }
0x7d: {  	s23 =	sadd.s32 $0x1, s21  }
0x7e: {  	p0 =	seq.s32 s21, $0x19;
	s24 =	sshll.u32 s23, $0x9  }
0x7f: {  	s24 =	simm.s32 @p0 $0x0  }
0x80: {  	s24 =	sadd.s32 $0x4000, s24  }
0x81: {  	[tilespmem:s14], [sflag:$0x1] =	stream.indirect.gather [hbm4b:s5+s12], $0x80, s24, s12, $0xb8;
	[tilespmem:$0x1B400] =	vst v63  }
0x82: {  	_ =	swait.ge [sflag:s19], $0x8000  }
0x83: {  	[sflag:s19] =	ssyncset.done $0x0  }
0x84: {  	s25 =	simm.s32 $0x0;
	s24 =	simm.s32 $0x0;
	[sflag:s19] =	ssyncadd.s32 $0xFFFF8000  }
.LBB2_7:
0x85: {  	s26 =	sand.u32 $0x400, s24  }
0x86: {  	s28 =	sor.u32 $0x800, s26  }
0x87: {  	s29 =	sand.u32 $0x70, s25;
	s30 =	sadd.s32 s28, s22  }
0x88: {  	s30 =	sadd.s32 s29, s30  }
0x89: {  	v1 =	vld [tilespmem:s30+$0x0];
	_ =	sdelay $0x3  }
0x8a: {  	v2 =	vmov s25  }
0x8b: {  	v2 =	vshll.u32 v2, $0x7;
	v1 =	vshll.u32 v1, $0x5  }
0x8c: {  	v2 =	vor.u32 v0, v2;
	v1 =	vand.u32 $0x60, v1  }
0x8d: {  	v1 =	vor.u32 v2, v1  }
0x8e: {  	v2 =	vor.u32 $0x1, v1  }
0x8f: {  	v3 =	vor.u32 $0x2, v1  }
0x90: {  	v4 =	vor.u32 $0x3, v1  }
0x91: {  	v5 =	vor.u32 $0x4, v1  }
0x92: {  	v7 =	vor.u32 $0x5, v1;
	v6 =	vld.idx.msk [tilespmem:v1+s16+$0x0], $0xffff  }
0x93: {  	v8 =	vor.u32 $0x6, v1;
	v2 =	vld.idx.msk [tilespmem:v2+s16+$0x0], $0xffff  }
0x94: {  	v9 =	vor.u32 $0x7, v1;
	v3 =	vld.idx.msk [tilespmem:v3+s16+$0x0], $0xffff  }
0x95: {  	v10 =	vor.u32 $0x8, v1;
	v4 =	vld.idx.msk [tilespmem:v4+s16+$0x0], $0xffff  }
0x96: {  	v11 =	vor.u32 $0x9, v1;
	v5 =	vld.idx.msk [tilespmem:v5+s16+$0x0], $0xffff  }
0x97: {  	v12 =	vor.u32 $0xA, v1;
	v7 =	vld.idx.msk [tilespmem:v7+s16+$0x0], $0xffff  }
0x98: {  	v13 =	vor.u32 $0xB, v1;
	v8 =	vld.idx.msk [tilespmem:v8+s16+$0x0], $0xffff  }
0x99: {  	v14 =	vor.u32 $0xC, v1;
	v9 =	vld.idx.msk [tilespmem:v9+s16+$0x0], $0xffff  }
0x9a: {  	v15 =	vor.u32 $0xD, v1;
	v10 =	vld.idx.msk [tilespmem:v10+s16+$0x0], $0xffff  }
0x9b: {  	v16 =	vor.u32 $0xE, v1;
	v11 =	vld.idx.msk [tilespmem:v11+s16+$0x0], $0xffff  }
0x9c: {  	v17 =	vor.u32 $0xF, v1;
	v12 =	vld.idx.msk [tilespmem:v12+s16+$0x0], $0xffff  }
0x9d: {  	v13 =	vld.idx.msk [tilespmem:v13+s16+$0x0], $0xffff  }
0x9e: {  	v14 =	vld.idx.msk [tilespmem:v14+s16+$0x0], $0xffff  }
0x9f: {  	v15 =	vld.idx.msk [tilespmem:v15+s16+$0x0], $0xffff  }
0xa0: {  	s28 =	sor.u32 s29, s28;
	v16 =	vld.idx.msk [tilespmem:v16+s16+$0x0], $0xffff  }
0xa1: {  	s26 =	sor.u32 s29, s26;
	v17 =	vld.idx.msk [tilespmem:v17+s16+$0x0], $0xffff;
	[tilespmem:s28+$0x17400] =	vst v6  }
0xa2: {  	[tilespmem:s26+$0x17C80] =	vst v2  }
0xa3: {  	[tilespmem:s26+$0x17D00] =	vst v3  }
0xa4: {  	[tilespmem:s26+$0x17D80] =	vst v4  }
0xa5: {  	[tilespmem:s26+$0x17E00] =	vst v5  }
0xa6: {  	[tilespmem:s26+$0x17E80] =	vst v7  }
0xa7: {  	[tilespmem:s26+$0x17F00] =	vst v8  }
0xa8: {  	[tilespmem:s26+$0x17F80] =	vst v9  }
0xa9: {  	[tilespmem:s26+$0x18C00] =	vst v10  }
0xaa: {  	[tilespmem:s26+$0x18C80] =	vst v11  }
0xab: {  	[tilespmem:s26+$0x18D00] =	vst v12  }
0xac: {  	v51 =	vor.u32 $0x12, v1;
	[tilespmem:s26+$0x18D80] =	vst v13  }
0xad: {  	v52 =	vor.u32 $0x13, v1;
	[tilespmem:s26+$0x18E00] =	vst v14  }
0xae: {  	v53 =	vor.u32 $0x14, v1;
	[tilespmem:s26+$0x18E80] =	vst v15  }
0xaf: {  	v54 =	vor.u32 $0x15, v1;
	[tilespmem:s26+$0x18F00] =	vst v16  }
0xb0: {  	v55 =	vor.u32 $0x16, v1;
	[tilespmem:s26+$0x18F80] =	vst v17  }
0xb1: {  	v56 =	vor.u32 $0x17, v1;
	v4 =	vld.idx.msk [tilespmem:v51+s16+$0x0], $0xffff  }
0xb2: {  	v57 =	vor.u32 $0x18, v1;
	v5 =	vld.idx.msk [tilespmem:v52+s16+$0x0], $0xffff  }
0xb3: {  	v58 =	vor.u32 $0x19, v1;
	v6 =	vld.idx.msk [tilespmem:v53+s16+$0x0], $0xffff  }
0xb4: {  	v59 =	vor.u32 $0x1A, v1;
	v7 =	vld.idx.msk [tilespmem:v54+s16+$0x0], $0xffff  }
0xb5: {  	v60 =	vor.u32 $0x1B, v1;
	v8 =	vld.idx.msk [tilespmem:v55+s16+$0x0], $0xffff  }
0xb6: {  	v61 =	vor.u32 $0x1C, v1;
	v9 =	vld.idx.msk [tilespmem:v56+s16+$0x0], $0xffff  }
0xb7: {  	v62 =	vor.u32 $0x1D, v1;
	v10 =	vld.idx.msk [tilespmem:v57+s16+$0x0], $0xffff  }
0xb8: {  	v63 =	vor.u32 $0x1E, v1;
	v11 =	vld.idx.msk [tilespmem:v58+s16+$0x0], $0xffff  }
0xb9: {  	v2 =	vor.u32 $0x10, v1;
	v12 =	vld.idx.msk [tilespmem:v59+s16+$0x0], $0xffff  }
0xba: {  	v3 =	vor.u32 $0x11, v1;
	v13 =	vld.idx.msk [tilespmem:v60+s16+$0x0], $0xffff  }
0xbb: {  	v1 =	vor.u32 $0x1F, v1;
	v14 =	vld.idx.msk [tilespmem:v61+s16+$0x0], $0xffff  }
0xbc: {  	v15 =	vld.idx.msk [tilespmem:v62+s16+$0x0], $0xffff  }
0xbd: {  	v16 =	vld.idx.msk [tilespmem:v63+s16+$0x0], $0xffff  }
0xbe: {  	v2 =	vld.idx.msk [tilespmem:v2+s16+$0x0], $0xffff  }
0xbf: {  	v3 =	vld.idx.msk [tilespmem:v3+s16+$0x0], $0xffff  }
0xc0: {  	v1 =	vld.idx.msk [tilespmem:v1+s16+$0x0], $0xffff;
	[tilespmem:s26+$0x19D00] =	vst v4  }
0xc1: {  	[tilespmem:s26+$0x19D80] =	vst v5  }
0xc2: {  	[tilespmem:s26+$0x19E00] =	vst v6  }
0xc3: {  	[tilespmem:s26+$0x19E80] =	vst v7  }
0xc4: {  	[tilespmem:s26+$0x19F00] =	vst v8  }
0xc5: {  	[tilespmem:s26+$0x19F80] =	vst v9  }
0xc6: {  	[tilespmem:s26+$0x1AC00] =	vst v10  }
0xc7: {  	[tilespmem:s26+$0x1AC80] =	vst v11  }
0xc8: {  	[tilespmem:s26+$0x1AD00] =	vst v12  }
0xc9: {  	[tilespmem:s26+$0x1AD80] =	vst v13  }
0xca: {  	p0 =	sne.s32 s25, $0xF0;
	[tilespmem:s26+$0x1AE00] =	vst v14  }
.Ltmp2:
0xcb: {  	[tilespmem:s26+$0x1AE80] =	vst v15;
	(pc) =	sbr.rel @p0 .LBB2_7-.Ltmp2, $4  }
0xcc: {  	[tilespmem:s26+$0x1AF00] =	vst v16  }
0xcd: {  	[tilespmem:s26+$0x19C00] =	vst v2  }
0xce: {  	[tilespmem:s26+$0x19C80] =	vst v3  }
0xcf: {  	s24 =	sadd.s32 $0x80, s24;
	s25 =	sadd.s32 $0x10, s25;
	[tilespmem:s26+$0x1AF80] =	vst v1  }
0xd0: {  	s21 =	sshll.u32 s21, $0x13;
	p0 =	sne.s32 s23, $0x1A  }
.Ltmp3:
0xd1: {  	s21 =	sor.u32 s4, s21;
	(pc) =	sbr.rel @p0 .LBB2_4-.Ltmp3, $4  }
0xd2: {  	s21 =	sshrl.u32 s21, $0x3  }
0xd3: {  	s21 =	sadd.s32 s1, s21  }
0xd4: {  	[hbm4b:s21+s9] =	stream.strided.scatter [tilespmem:s15], [sflag:$0x3], $0x4000, s10, s9, $0x38;
	[tilespmem:$0x1B400] =	vst v63  }
0xd5: {  	s21 =	smov.u32 s23  }
0xd6: {  	s20 =	sadd.s32 $0x1, s20  }
0xd7: {  	_ =	swait.ge [sflag:s17], $0x8000;
	p0 =	sne.s32 s20, s8  }
.Ltmp4:
0xd8: {  	[sflag:s17] =	ssyncset.done $0x0;
	(pc) =	sbr.rel @p0 .LBB2_1-.Ltmp4, $4  }
0xd9: {  	[sflag:s17] =	ssyncadd.s32 $0xFFFF8000  }
0xda: {  	_ =	swait.ge [sflag:s18], $0x4000  }
0xdb: {  	[sflag:s18] =	ssyncset.done $0x0  }
0xdc: {  	[sflag:s18] =	ssyncadd.s32 $0xFFFFC000  }
0xdd: {  	_ =	sfence.sel $0x180000  }
0xde: {  	[bflag:$0x0] =	sbarrier.arrive $0xFFFF  }
0xdf: {  	p0 =	sne.s32 s2, $0x0;
	_ =	strace $0x90000047  }
0xe0: {  	s0 =	sadd.s32 @!p0 $0x100000, s0;
	[bflag:$0x2] =	sbarrier.arrive $0xFFFF  }
0xe1: {  	[sflag:s0] =	ssyncadd.tile.s32 @!p0 $0x1;
	_ =	shalt  }
.Lfunc_end2:
_tile_overlayer_lowered:
.L_overlay_start_2:
0xe2: {  	(tag) =	ssettag $0x2  }
0xe3: {  	s0 =	rddreg [dreg:$0x0];
	s2 =	stileid.u32  }
0xe4: {  	s1 =	rddreg [dreg:$0x1];
	p0 =	sne.s32 s2, $0x0  }
0xe5: {  	s3 =	rddreg [dreg:$0x2];
	[bflag:$0x3] =	sbarrier.arrive $0xFFFF;
	s2 =	simm.s32 @!p0 $0x1C04  }
0xe6: {  	[timem:s3], [sflag:s2] =	dma.local @!p0 [hbm:s0], s1  }
0xe7: {  	s0 =	simm.s32 @!p0 $0x4  }
0xe8: {  	_ =	swait.ge @!p0 [sflag:s0], s1  }
0xe9: {  	s1 =	ssub.s32 @!p0 $0x0, s1;
	[sflag:s0] =	ssyncset.done @!p0 $0x0  }
0xea: {  	[sflag:s0] =	ssyncadd.s32 @!p0 s1  }
0xeb: {  	[bflag:$0x3] =	sbarrier.arrive $0xFFFF  }
0xec: {  	_ =	shalt  }

</sc_bundles>
